<compile_context>
chip_gen: v7x
topology: tpu7x:2x2x1
jax: 0.10.2.dev20260603
libtpu: 0.0.44.dev20260713+nightly
codegen_flags: <defaults>
</compile_context>

<pallas_src>
import functools

import jax
import jax.numpy as jnp
from jax import lax
from jax.experimental import pallas as pl
from jax.experimental.pallas import tpu as pltpu
from jax.experimental.pallas import tpu_sc as plsc

N_NODES = 10000
N_EDGES = 320000
D = 128
DH = D // 2

NC = 2
NS = 16
NW = NC * NS
CHUNK = 80
NCH1 = N_EDGES // NW // CHUNK
CHUNK3 = 125
NCH3 = N_EDGES // NS // CHUNK3
NBUF = 8
N_PAD = 10240
ROWS_PER_TILE = N_PAD // NS

_mesh = plsc.VectorSubcoreMesh(
    core_axis_name="c", subcore_axis_name="s", num_cores=NC, num_subcores=NS)
_sc_params = pltpu.CompilerParams(use_tc_tiling_on_sc=False)


@functools.partial(
    pl.kernel,
    out_type=jax.ShapeDtypeStruct((NC, N_PAD), jnp.float32),
    mesh=_mesh,
    scratch_types=[
        pltpu.VMEM((NCH1, CHUNK), jnp.int32),
        pltpu.VMEM((CHUNK,), jnp.float32),
        pltpu.VMEM((ROWS_PER_TILE,), jnp.float32),
        pltpu.VMEM_SHARED((N_PAD,), jnp.float32),
        pltpu.SemaphoreType.DMA,
    ],
    compiler_params=_sc_params,
)
def _deg_kernel(dst_hbm, out_hbm, idx_v, ones_v, zeros_v, deg_sh, ssem):
    c = lax.axis_index("c")
    s = lax.axis_index("s")
    wid = c * NS + s

    def fill(i, _):
        ones_v[pl.ds(i * 16, 16)] = jnp.full((16,), 1.0, jnp.float32)
        return 0
    lax.fori_loop(0, CHUNK // 16, fill, 0)

    def fillz(i, _):
        zeros_v[pl.ds(i * 16, 16)] = jnp.zeros((16,), jnp.float32)
        return 0
    lax.fori_loop(0, ROWS_PER_TILE // 16, fillz, 0)

    pltpu.sync_copy(zeros_v, deg_sh.at[pl.ds(s * ROWS_PER_TILE, ROWS_PER_TILE)])
    plsc.subcore_barrier()

    pltpu.sync_copy(dst_hbm.at[wid], idx_v)

    def prol(g, _):
        pltpu.async_copy(ones_v, deg_sh.at[idx_v.at[g]], ssem, add=True)
        return 0
    lax.fori_loop(0, 8, prol, 0)

    def body(g, _):
        pltpu.make_async_copy(ones_v, deg_sh.at[idx_v.at[g]], ssem).wait()
        pltpu.async_copy(ones_v, deg_sh.at[idx_v.at[g + 8]], ssem, add=True)
        return 0
    lax.fori_loop(0, NCH1 - 8, body, 0)

    def drain(g, _):
        pltpu.make_async_copy(ones_v, deg_sh.at[idx_v.at[g]], ssem).wait()
        return 0
    lax.fori_loop(NCH1 - 8, NCH1, drain, 0)

    plsc.subcore_barrier()
    pltpu.sync_copy(deg_sh.at[pl.ds(s * ROWS_PER_TILE, ROWS_PER_TILE)],
                    out_hbm.at[c, pl.ds(s * ROWS_PER_TILE, ROWS_PER_TILE)])


def _scale_body(degT_ref, x_ref, x2_ref):
    deg = degT_ref[:, 0:1] + degT_ref[:, 1:2] + 1.0
    dinv = lax.rsqrt(deg)
    x2_ref[...] = (x_ref[...] * dinv).astype(jnp.bfloat16)


def _scale_call(degT, x):
    return pl.pallas_call(
        _scale_body,
        out_shape=jax.ShapeDtypeStruct((N_NODES, D), jnp.bfloat16),
    )(degT, x)


@functools.partial(
    pl.kernel,
    out_type=jax.ShapeDtypeStruct((N_PAD, D), jnp.bfloat16),
    mesh=_mesh,
    scratch_types=[
        pltpu.VMEM((NCH3, CHUNK3), jnp.int32),
        pltpu.VMEM((NCH3, CHUNK3), jnp.int32),
        pltpu.VMEM((NBUF, CHUNK3, DH), jnp.bfloat16),
        pltpu.VMEM((128, DH), jnp.bfloat16),
        pltpu.VMEM_SHARED((N_PAD, DH), jnp.bfloat16),
        [pltpu.SemaphoreType.DMA] * NBUF,
        [pltpu.SemaphoreType.DMA] * NBUF,
    ],
    compiler_params=_sc_params,
)
def _agg_kernel(src_hbm, dst_hbm, x2_hbm, out_hbm,
                src_v, dst_v, rows_v, zeros_v, agg_sh, gsems, ssems):
    c = lax.axis_index("c")
    s = lax.axis_index("s")

    def fillz(i, _):
        r = i // 2
        col = (i - r * 2) * 32
        zeros_v[r, pl.ds(col, 32)] = jnp.zeros((32,), jnp.bfloat16)
        return 0
    lax.fori_loop(0, 128 * (DH // 32), fillz, 0)

    def zrow(k, _):
        pltpu.sync_copy(
            zeros_v, agg_sh.at[pl.ds(s * ROWS_PER_TILE + k * 128, 128)])
        return 0
    lax.fori_loop(0, ROWS_PER_TILE // 128, zrow, 0)
    plsc.subcore_barrier()

    pltpu.sync_copy(src_hbm.at[c, s], src_v)
    pltpu.sync_copy(dst_hbm.at[s], dst_v)

    def gather(g, b):
        pltpu.async_copy(x2_hbm.at[src_v.at[g]], rows_v.at[b], gsems[b])

    def gwait(g, b):
        pltpu.make_async_copy(
            x2_hbm.at[src_v.at[g]], rows_v.at[b], gsems[b]).wait()

    def scatter(g, b):
        pltpu.async_copy(rows_v.at[b], agg_sh.at[dst_v.at[g]], ssems[b],
                         add=True)

    def swait(g, b):
        pltpu.make_async_copy(rows_v.at[b], agg_sh.at[dst_v.at[g]],
                              ssems[b]).wait()

    for b in range(NBUF):
        gather(b, b)

    def body(p, _):
        g0 = p * NBUF
        for b in range(NBUF):
            gwait(g0 + b, b)
            scatter(g0 + b, b)
        for b in range(NBUF):
            swait(g0 + b, b)
            gather(g0 + NBUF + b, b)
        return 0
    lax.fori_loop(0, NCH3 // NBUF - 1, body, 0)

    g0 = NCH3 - NBUF
    for b in range(NBUF):
        gwait(g0 + b, b)
        scatter(g0 + b, b)
    for b in range(NBUF):
        swait(g0 + b, b)

    plsc.subcore_barrier()
    pltpu.sync_copy(
        agg_sh.at[pl.ds(s * ROWS_PER_TILE, ROWS_PER_TILE)],
        out_hbm.at[pl.ds(s * ROWS_PER_TILE, ROWS_PER_TILE), pl.ds(c * DH, DH)])


def _mlp_body(agg_ref, x_ref, degT_ref, wg_ref, bg_ref, w1_ref, b1_ref,
              w2_ref, b2_ref, out_ref):
    deg = degT_ref[:, 0:1] + degT_ref[:, 1:2] + 1.0
    dinv = lax.rsqrt(deg)
    y = dinv * (agg_ref[:N_NODES, :].astype(jnp.float32) + dinv * x_ref[...])
    gcn = jnp.dot(y, wg_ref[...], preferred_element_type=jnp.float32) + bg_ref[...]
    h1 = jnp.maximum(
        jnp.dot(gcn, w1_ref[...], preferred_element_type=jnp.float32) + b1_ref[...],
        0.0)
    out_ref[...] = (
        jnp.dot(h1, w2_ref[...], preferred_element_type=jnp.float32) + b2_ref[...])


def _mlp_call(agg, x, degT, W_gcn, b_gcn, W1, b1, W2, b2):
    return pl.pallas_call(
        _mlp_body,
        out_shape=jax.ShapeDtypeStruct((N_NODES, D), jnp.float32),
    )(agg, x, degT, W_gcn, b_gcn.reshape(1, D), W1, b1.reshape(1, D),
      W2, b2.reshape(1, D))


def kernel(x, edge_index, W_gcn, b_gcn, W1, b1, W2, b2):
    src = edge_index[0].astype(jnp.int32)
    dst = edge_index[1].astype(jnp.int32)
    dst1 = dst.reshape(NW, NCH1, CHUNK)
    src2 = src * 2
    src3 = jnp.stack([src2, src2 + 1]).reshape(NC, NS, NCH3, CHUNK3)
    dst3 = dst.reshape(NS, NCH3, CHUNK3)

    deg_part = _deg_kernel(dst1)
    degT = deg_part[:, :N_NODES].T
    x2 = _scale_call(degT, x)
    x2v = x2.reshape(2 * N_NODES, DH)
    agg = _agg_kernel(src3, dst3, x2v)
    return _mlp_call(agg, x, degT, W_gcn, b_gcn, W1, b1, W2, b2)

# --- scband reference (transcript-rebuilt; emitter-appended) ---
"""Pipeline reference for scband-gcn-mlp-58231166599543 (READ-ONLY COPY).

The authoritative reference and input builder live on the scoring server;
editing this copy changes nothing except your own understanding.
"""

import jax, jax.numpy as jnp
import numpy as np

N_NODES = 10000
N_EDGES = 320000
D_FEAT = 128
D_HID = 128
D_OUT = 128

def setup_inputs(seed: int = 0) -> dict:
    key = jax.random.key(seed)
    k_x, k_ei, k_wg, k_bg, k_w1, k_b1, k_w2, k_b2 = jax.random.split(key, 8)
    x = jax.random.normal(k_x, (N_NODES, D_FEAT), dtype=jnp.float32)
    edge_index = jax.random.randint(k_ei, (2, N_EDGES), 0, N_NODES, dtype=jnp.int64)
    scale_g = 1.0 / np.sqrt(D_FEAT)
    W_gcn = jax.random.uniform(k_wg, (D_FEAT, D_HID), dtype=jnp.float32, minval=-scale_g, maxval=scale_g)
    b_gcn = jax.random.uniform(k_bg, (D_HID,), dtype=jnp.float32, minval=-scale_g, maxval=scale_g)
    scale_1 = 1.0 / np.sqrt(D_HID)
    W1 = jax.random.uniform(k_w1, (D_HID, D_HID), dtype=jnp.float32, minval=-scale_1, maxval=scale_1)
    b1 = jax.random.uniform(k_b1, (D_HID,), dtype=jnp.float32, minval=-scale_1, maxval=scale_1)
    W2 = jax.random.uniform(k_w2, (D_HID, D_OUT), dtype=jnp.float32, minval=-scale_1, maxval=scale_1)
    b2 = jax.random.uniform(k_b2, (D_OUT,), dtype=jnp.float32, minval=-scale_1, maxval=scale_1)
    return {"x": x, "edge_index": edge_index, "W_gcn": W_gcn, "b_gcn": b_gcn, "W1": W1, "b1": b1, "W2": W2, "b2": b2}

def reference(x, edge_index, W_gcn, b_gcn, W1, b1, W2, b2):
    N = x.shape[0]
    # --- GCNConv: symmetric-normalized aggregation with self loops ---
    loop = jnp.arange(N, dtype=edge_index.dtype)
    src = jnp.concatenate([edge_index[0], loop])
    dst = jnp.concatenate([edge_index[1], loop])
    deg = jnp.zeros((N,), dtype=x.dtype).at[dst].add(jnp.ones_like(dst, dtype=x.dtype))
    deg_inv_sqrt = jnp.where(deg > 0, jax.lax.rsqrt(jnp.maximum(deg, 1e-12)), 0.0)
    norm = deg_inv_sqrt[src] * deg_inv_sqrt[dst]
    h = x @ W_gcn
    msg = h[src] * norm[:, None]
    agg = jnp.zeros((N, h.shape[1]), dtype=h.dtype).at[dst].add(msg)
    gcn_out = agg + b_gcn
    # --- MLP: Linear -> ReLU -> Linear ---
    hid = jax.nn.relu(gcn_out @ W1 + b1)
    out = hid @ W2 + b2
    return out

if __name__ == "__main__":
    import jax
    _d = setup_inputs()
    print(jax.jit(kernel)(*tuple(_d.values())))

</pallas_src>

<mosaic_0001>
#map = affine_map<(d0, d1) -> (0, 0, 0)>
#map1 = affine_map<(d0, d1) -> (0, 0)>
module attributes {stable_mosaic.version = 14 : i64} {
  func.func @_deg_kernel(%arg0: i32, %arg1: i32, %arg2: memref<32x125x80xi32, #tpu.memory_space<hbm>>, %arg3: memref<2x10240xf32, #tpu.memory_space<hbm>>, %arg4: memref<125x80xi32, #tpu.memory_space<vmem>>, %arg5: memref<80xf32, #tpu.memory_space<vmem>>, %arg6: memref<640xf32, #tpu.memory_space<vmem>>, %arg7: memref<10240xf32, #tpu.memory_space<vmem_shared>>, %arg8: memref<!tpu.dma_semaphore, #tpu.memory_space<semaphore_mem>>) attributes {dimension_semantics = [#tpu.dimension_semantics<core_parallel>, #tpu.dimension_semantics<subcore_parallel>], iteration_bounds = array<i64: 2, 16>, scalar_prefetch = 0 : i64, scratch_operands = 5 : i64, tpu.core_type = #tpu.core_type<sc_vector_subcore>, window_params = [{transform_indices = #map}, {transform_indices = #map1}]} {
    %mul3A = arith.constant 16 : i32
    %mul3A_0 = arith.muli %arg0, %mul3A : i32
    %add3A = arith.addi %mul3A_0, %arg1 : i32
    %scan3A = arith.constant 0 : i32
    %scan3A_1 = arith.constant 0 : i32
    %scan3A_2 = arith.constant 5 : i32
    %scan3A_3 = arith.addi %scan3A_1, %scan3A_2 : i32
    %scan3A_4 = arith.constant 1 : i32
    %scan3A_5 = scf.for %scan3A_42 = %scan3A_1 to %scan3A_3 step %scan3A_4 iter_args(%scan3A_43 = %scan3A) -> (i32)  : i32 {
      %broadcast_in_dim3A = arith.constant 1.000000e+00 : f32
      %broadcast_in_dim3A_44 = vector.broadcast %broadcast_in_dim3A : f32 to vector<16xf32>
      %mul3A_45 = arith.constant 16 : i32
      %mul3A_46 = arith.muli %scan3A_42, %mul3A_45 : i32
      %swap3A = arith.index_cast %mul3A_46 : i32 to index
      %swap3A_47 = tpu.vector_load %arg5[%swap3A] {strides = array<i32>} : memref<80xf32, #tpu.memory_space<vmem>>, vector<16xf32>,
      %swap3A_48 = vector.shape_cast %swap3A_47 : vector<16xf32> to vector<16xf32>
      %swap3A_49 = vector.shape_cast %broadcast_in_dim3A_44 : vector<16xf32> to vector<16xf32>
      tpu.vector_store %arg5[%swap3A], %swap3A_49 {strides = array<i32>} : memref<80xf32, #tpu.memory_space<vmem>>, vector<16xf32>,
      %scan3A_50 = arith.constant 0 : i32
      scf.yield %scan3A_50 : i32
    }
    %scan3A_6 = arith.constant 5 : i32
    %scan3A_7 = arith.constant 0 : i32
    %scan3A_8 = arith.constant 0 : i32
    %scan3A_9 = arith.constant 40 : i32
    %scan3A_10 = arith.addi %scan3A_8, %scan3A_9 : i32
    %scan3A_11 = arith.constant 1 : i32
    %scan3A_12 = scf.for %scan3A_42 = %scan3A_8 to %scan3A_10 step %scan3A_11 iter_args(%scan3A_43 = %scan3A_7) -> (i32)  : i32 {
      %broadcast_in_dim3A = arith.constant 0.000000e+00 : f32
      %broadcast_in_dim3A_44 = vector.broadcast %broadcast_in_dim3A : f32 to vector<16xf32>
      %mul3A_45 = arith.constant 16 : i32
      %mul3A_46 = arith.muli %scan3A_42, %mul3A_45 : i32
      %swap3A = arith.index_cast %mul3A_46 : i32 to index
      %swap3A_47 = tpu.vector_load %arg6[%swap3A] {strides = array<i32>} : memref<640xf32, #tpu.memory_space<vmem>>, vector<16xf32>,
      %swap3A_48 = vector.shape_cast %swap3A_47 : vector<16xf32> to vector<16xf32>
      %swap3A_49 = vector.shape_cast %broadcast_in_dim3A_44 : vector<16xf32> to vector<16xf32>
      tpu.vector_store %arg6[%swap3A], %swap3A_49 {strides = array<i32>} : memref<640xf32, #tpu.memory_space<vmem>>, vector<16xf32>,
      %scan3A_50 = arith.constant 0 : i32
      scf.yield %scan3A_50 : i32
    }
    %scan3A_13 = arith.constant 40 : i32
    %mul3A_14 = arith.constant 640 : i32
    %mul3A_15 = arith.muli %arg1, %mul3A_14 : i32
    "tpu.region"() ({
      %run_scoped3A = tpu.sem_alloc : memref<!tpu.dma_semaphore, #tpu.memory_space<semaphore_mem>>
      %dma_start3A = tpu.memref_slice %arg7[%mul3A_15] : memref<10240xf32, #tpu.memory_space<vmem_shared>> -> memref<640xf32, #tpu.memory_space<vmem_shared>>
      %dma_start3A_42 = tpu.memref_slice %arg7[%mul3A_15] : memref<10240xf32, #tpu.memory_space<vmem_shared>> -> memref<640xf32, #tpu.memory_space<vmem_shared>>
      tpu.enqueue_dma source(%arg6 : memref<640xf32, #tpu.memory_space<vmem>>) target(%dma_start3A_42 : memref<640xf32, #tpu.memory_space<vmem_shared>>) target_semaphore(%run_scoped3A : memref<!tpu.dma_semaphore, #tpu.memory_space<semaphore_mem>>)
      %dma_wait3A = tpu.memref_slice %arg7[%mul3A_15] : memref<10240xf32, #tpu.memory_space<vmem_shared>> -> memref<640xf32, #tpu.memory_space<vmem_shared>>
      %dma_wait3A_43 = tpu.memref_slice %arg7[%mul3A_15] : memref<10240xf32, #tpu.memory_space<vmem_shared>> -> memref<640xf32, #tpu.memory_space<vmem_shared>>
      tpu.wait_dma2 semaphore(%run_scoped3A : memref<!tpu.dma_semaphore, #tpu.memory_space<semaphore_mem>>) src(%arg6 : memref<640xf32, #tpu.memory_space<vmem>>) dst(%dma_wait3A_43 : memref<640xf32, #tpu.memory_space<vmem_shared>>)
      tpu.yield
    }) : () -> ()
    %barrier3A = arith.constant 0 : index
    tpu.barrier barrier_id(%barrier3A)
    "tpu.region"() ({
      %run_scoped3A = tpu.sem_alloc : memref<!tpu.dma_semaphore, #tpu.memory_space<semaphore_mem>>
      %dma_start3A = arith.constant 0 : i32
      %dma_start3A_42 = arith.constant 0 : i32
      %dma_start3A_43 = tpu.memref_slice %arg2[%add3A, %dma_start3A, %dma_start3A_42] : memref<32x125x80xi32, #tpu.memory_space<hbm>> -> memref<1x125x80xi32, #tpu.memory_space<hbm>>
      %dma_start3A_44 = tpu.memref_squeeze %dma_start3A_43 : memref<1x125x80xi32, #tpu.memory_space<hbm>> -> memref<125x80xi32, #tpu.memory_space<hbm>>
      %dma_start3A_45 = arith.constant 0 : i32
      %dma_start3A_46 = arith.constant 0 : i32
      %dma_start3A_47 = tpu.memref_slice %arg2[%add3A, %dma_start3A_45, %dma_start3A_46] : memref<32x125x80xi32, #tpu.memory_space<hbm>> -> memref<1x125x80xi32, #tpu.memory_space<hbm>>
      %dma_start3A_48 = tpu.memref_squeeze %dma_start3A_47 : memref<1x125x80xi32, #tpu.memory_space<hbm>> -> memref<125x80xi32, #tpu.memory_space<hbm>>
      tpu.enqueue_dma source(%dma_start3A_48 : memref<125x80xi32, #tpu.memory_space<hbm>>) target(%arg4 : memref<125x80xi32, #tpu.memory_space<vmem>>) target_semaphore(%run_scoped3A : memref<!tpu.dma_semaphore, #tpu.memory_space<semaphore_mem>>)
      %dma_wait3A = arith.constant 0 : i32
      %dma_wait3A_49 = arith.constant 0 : i32
      %dma_wait3A_50 = tpu.memref_slice %arg2[%add3A, %dma_wait3A, %dma_wait3A_49] : memref<32x125x80xi32, #tpu.memory_space<hbm>> -> memref<1x125x80xi32, #tpu.memory_space<hbm>>
      %dma_wait3A_51 = tpu.memref_squeeze %dma_wait3A_50 : memref<1x125x80xi32, #tpu.memory_space<hbm>> -> memref<125x80xi32, #tpu.memory_space<hbm>>
      %dma_wait3A_52 = arith.constant 0 : i32
      %dma_wait3A_53 = arith.constant 0 : i32
      %dma_wait3A_54 = tpu.memref_slice %arg2[%add3A, %dma_wait3A_52, %dma_wait3A_53] : memref<32x125x80xi32, #tpu.memory_space<hbm>> -> memref<1x125x80xi32, #tpu.memory_space<hbm>>
      %dma_wait3A_55 = tpu.memref_squeeze %dma_wait3A_54 : memref<1x125x80xi32, #tpu.memory_space<hbm>> -> memref<125x80xi32, #tpu.memory_space<hbm>>
      tpu.wait_dma2 semaphore(%run_scoped3A : memref<!tpu.dma_semaphore, #tpu.memory_space<semaphore_mem>>) src(%dma_wait3A_55 : memref<125x80xi32, #tpu.memory_space<hbm>>) dst(%arg4 : memref<125x80xi32, #tpu.memory_space<vmem>>)
      tpu.yield
    }) : () -> ()
    %scan3A_16 = arith.constant 0 : i32
    %scan3A_17 = arith.constant 0 : i32
    %scan3A_18 = arith.constant 8 : i32
    %scan3A_19 = arith.addi %scan3A_17, %scan3A_18 : i32
    %scan3A_20 = arith.constant 1 : i32
    %scan3A_21 = scf.for %scan3A_42 = %scan3A_17 to %scan3A_19 step %scan3A_20 iter_args(%scan3A_43 = %scan3A_16) -> (i32)  : i32 {
      %dma_start3A = arith.constant 0 : i32
      %dma_start3A_44 = tpu.memref_slice %arg4[%scan3A_42, %dma_start3A] : memref<125x80xi32, #tpu.memory_space<vmem>> -> memref<1x80xi32, #tpu.memory_space<vmem>>
      %dma_start3A_45 = tpu.memref_squeeze %dma_start3A_44 : memref<1x80xi32, #tpu.memory_space<vmem>> -> memref<80xi32, #tpu.memory_space<vmem>>
      %dma_start3A_46 = arith.constant 0 : i32
      %dma_start3A_47 = tpu.memref_slice %arg7[%dma_start3A_46] : memref<10240xf32, #tpu.memory_space<vmem_shared>> -> memref<10240xf32, #tpu.memory_space<vmem_shared>>
      tpu.enqueue_indirect_dma source(%arg5 : memref<80xf32, #tpu.memory_space<vmem>>) target(%dma_start3A_47 : memref<10240xf32, #tpu.memory_space<vmem_shared>>) offsets(%dma_start3A_45 : memref<80xi32, #tpu.memory_space<vmem>>) semaphore(%arg8 : memref<!tpu.dma_semaphore, #tpu.memory_space<semaphore_mem>>) {add = true}
      %scan3A_48 = arith.constant 0 : i32
      scf.yield %scan3A_48 : i32
    }
    %scan3A_22 = arith.constant 8 : i32
    %scan3A_23 = arith.constant 0 : i32
    %scan3A_24 = arith.constant 0 : i32
    %scan3A_25 = arith.constant 117 : i32
    %scan3A_26 = arith.addi %scan3A_24, %scan3A_25 : i32
    %scan3A_27 = arith.constant 1 : i32
    %scan3A_28 = scf.for %scan3A_42 = %scan3A_24 to %scan3A_26 step %scan3A_27 iter_args(%scan3A_43 = %scan3A_23) -> (i32)  : i32 {
      %dma_wait3A = arith.constant 0 : i32
      %dma_wait3A_44 = tpu.memref_slice %arg4[%scan3A_42, %dma_wait3A] : memref<125x80xi32, #tpu.memory_space<vmem>> -> memref<1x80xi32, #tpu.memory_space<vmem>>
      %dma_wait3A_45 = tpu.memref_squeeze %dma_wait3A_44 : memref<1x80xi32, #tpu.memory_space<vmem>> -> memref<80xi32, #tpu.memory_space<vmem>>
      %dma_wait3A_46 = arith.constant 0 : i32
      %dma_wait3A_47 = tpu.memref_slice %arg7[%dma_wait3A_46] : memref<10240xf32, #tpu.memory_space<vmem_shared>> -> memref<10240xf32, #tpu.memory_space<vmem_shared>>
      tpu.wait_indirect_dma semaphore(%arg8 : memref<!tpu.dma_semaphore, #tpu.memory_space<semaphore_mem>>) src(%arg5 : memref<80xf32, #tpu.memory_space<vmem>>) dst(%dma_wait3A_47 : memref<10240xf32, #tpu.memory_space<vmem_shared>>)
      %add3A_48 = arith.constant 8 : i32
      %add3A_49 = arith.addi %scan3A_42, %add3A_48 : i32
      %dma_start3A = arith.constant 0 : i32
      %dma_start3A_50 = tpu.memref_slice %arg4[%add3A_49, %dma_start3A] : memref<125x80xi32, #tpu.memory_space<vmem>> -> memref<1x80xi32, #tpu.memory_space<vmem>>
      %dma_start3A_51 = tpu.memref_squeeze %dma_start3A_50 : memref<1x80xi32, #tpu.memory_space<vmem>> -> memref<80xi32, #tpu.memory_space<vmem>>
      %dma_start3A_52 = arith.constant 0 : i32
      %dma_start3A_53 = tpu.memref_slice %arg7[%dma_start3A_52] : memref<10240xf32, #tpu.memory_space<vmem_shared>> -> memref<10240xf32, #tpu.memory_space<vmem_shared>>
      tpu.enqueue_indirect_dma source(%arg5 : memref<80xf32, #tpu.memory_space<vmem>>) target(%dma_start3A_53 : memref<10240xf32, #tpu.memory_space<vmem_shared>>) offsets(%dma_start3A_51 : memref<80xi32, #tpu.memory_space<vmem>>) semaphore(%arg8 : memref<!tpu.dma_semaphore, #tpu.memory_space<semaphore_mem>>) {add = true}
      %scan3A_54 = arith.constant 0 : i32
      scf.yield %scan3A_54 : i32
    }
    %scan3A_29 = arith.constant 117 : i32
    %scan3A_30 = arith.constant 0 : i32
    %scan3A_31 = arith.constant 117 : i32
    %scan3A_32 = arith.constant 8 : i32
    %scan3A_33 = arith.addi %scan3A_31, %scan3A_32 : i32
    %scan3A_34 = arith.constant 1 : i32
    %scan3A_35 = scf.for %scan3A_42 = %scan3A_31 to %scan3A_33 step %scan3A_34 iter_args(%scan3A_43 = %scan3A_30) -> (i32)  : i32 {
      %dma_wait3A = arith.constant 0 : i32
      %dma_wait3A_44 = tpu.memref_slice %arg4[%scan3A_42, %dma_wait3A] : memref<125x80xi32, #tpu.memory_space<vmem>> -> memref<1x80xi32, #tpu.memory_space<vmem>>
      %dma_wait3A_45 = tpu.memref_squeeze %dma_wait3A_44 : memref<1x80xi32, #tpu.memory_space<vmem>> -> memref<80xi32, #tpu.memory_space<vmem>>
      %dma_wait3A_46 = arith.constant 0 : i32
      %dma_wait3A_47 = tpu.memref_slice %arg7[%dma_wait3A_46] : memref<10240xf32, #tpu.memory_space<vmem_shared>> -> memref<10240xf32, #tpu.memory_space<vmem_shared>>
      tpu.wait_indirect_dma semaphore(%arg8 : memref<!tpu.dma_semaphore, #tpu.memory_space<semaphore_mem>>) src(%arg5 : memref<80xf32, #tpu.memory_space<vmem>>) dst(%dma_wait3A_47 : memref<10240xf32, #tpu.memory_space<vmem_shared>>)
      %scan3A_48 = arith.constant 0 : i32
      scf.yield %scan3A_48 : i32
    }
    %scan3A_36 = arith.constant 8 : i32
    %barrier3A_37 = arith.constant 0 : index
    tpu.barrier barrier_id(%barrier3A_37)
    %mul3A_38 = arith.constant 640 : i32
    %mul3A_39 = arith.muli %arg1, %mul3A_38 : i32
    %mul3A_40 = arith.constant 640 : i32
    %mul3A_41 = arith.muli %arg1, %mul3A_40 : i32
    "tpu.region"() ({
      %run_scoped3A = tpu.sem_alloc : memref<!tpu.dma_semaphore, #tpu.memory_space<semaphore_mem>>
      %dma_start3A = tpu.memref_slice %arg3[%arg0, %mul3A_41] : memref<2x10240xf32, #tpu.memory_space<hbm>> -> memref<1x640xf32, #tpu.memory_space<hbm>>
      %dma_start3A_42 = tpu.memref_squeeze %dma_start3A : memref<1x640xf32, #tpu.memory_space<hbm>> -> memref<640xf32, #tpu.memory_space<hbm>>
      %dma_start3A_43 = tpu.memref_slice %arg7[%mul3A_39] : memref<10240xf32, #tpu.memory_space<vmem_shared>> -> memref<640xf32, #tpu.memory_space<vmem_shared>>
      tpu.enqueue_dma source(%dma_start3A_43 : memref<640xf32, #tpu.memory_space<vmem_shared>>) target(%dma_start3A_42 : memref<640xf32, #tpu.memory_space<hbm>>) target_semaphore(%run_scoped3A : memref<!tpu.dma_semaphore, #tpu.memory_space<semaphore_mem>>)
      %dma_wait3A = tpu.memref_slice %arg3[%arg0, %mul3A_41] : memref<2x10240xf32, #tpu.memory_space<hbm>> -> memref<1x640xf32, #tpu.memory_space<hbm>>
      %dma_wait3A_44 = tpu.memref_squeeze %dma_wait3A : memref<1x640xf32, #tpu.memory_space<hbm>> -> memref<640xf32, #tpu.memory_space<hbm>>
      %dma_wait3A_45 = tpu.memref_slice %arg7[%mul3A_39] : memref<10240xf32, #tpu.memory_space<vmem_shared>> -> memref<640xf32, #tpu.memory_space<vmem_shared>>
      tpu.wait_dma2 semaphore(%run_scoped3A : memref<!tpu.dma_semaphore, #tpu.memory_space<semaphore_mem>>) src(%dma_wait3A_45 : memref<640xf32, #tpu.memory_space<vmem_shared>>) dst(%dma_wait3A_44 : memref<640xf32, #tpu.memory_space<hbm>>)
      tpu.yield
    }) : () -> ()
    return
  }
}

#map = affine_map<(d0, d1) -> (0, 0, 0, 0)>
#map1 = affine_map<(d0, d1) -> (0, 0, 0)>
#map2 = affine_map<(d0, d1) -> (0, 0)>
module attributes {stable_mosaic.version = 14 : i64} {
  func.func @_agg_kernel(%arg0: i32, %arg1: i32, %arg2: memref<2x16x160x125xi32, #tpu.memory_space<hbm>>, %arg3: memref<16x160x125xi32, #tpu.memory_space<hbm>>, %arg4: memref<20000x64xbf16, #tpu.memory_space<hbm>>, %arg5: memref<10240x128xbf16, #tpu.memory_space<hbm>>, %arg6: memref<160x125xi32, #tpu.memory_space<vmem>>, %arg7: memref<160x125xi32, #tpu.memory_space<vmem>>, %arg8: memref<8x125x64xbf16, #tpu.memory_space<vmem>>, %arg9: memref<128x64xbf16, #tpu.memory_space<vmem>>, %arg10: memref<10240x64xbf16, #tpu.memory_space<vmem_shared>>, %arg11: memref<!tpu.dma_semaphore, #tpu.memory_space<semaphore_mem>>, %arg12: memref<!tpu.dma_semaphore, #tpu.memory_space<semaphore_mem>>, %arg13: memref<!tpu.dma_semaphore, #tpu.memory_space<semaphore_mem>>, %arg14: memref<!tpu.dma_semaphore, #tpu.memory_space<semaphore_mem>>, %arg15: memref<!tpu.dma_semaphore, #tpu.memory_space<semaphore_mem>>, %arg16: memref<!tpu.dma_semaphore, #tpu.memory_space<semaphore_mem>>, %arg17: memref<!tpu.dma_semaphore, #tpu.memory_space<semaphore_mem>>, %arg18: memref<!tpu.dma_semaphore, #tpu.memory_space<semaphore_mem>>, %arg19: memref<!tpu.dma_semaphore, #tpu.memory_space<semaphore_mem>>, %arg20: memref<!tpu.dma_semaphore, #tpu.memory_space<semaphore_mem>>, %arg21: memref<!tpu.dma_semaphore, #tpu.memory_space<semaphore_mem>>, %arg22: memref<!tpu.dma_semaphore, #tpu.memory_space<semaphore_mem>>, %arg23: memref<!tpu.dma_semaphore, #tpu.memory_space<semaphore_mem>>, %arg24: memref<!tpu.dma_semaphore, #tpu.memory_space<semaphore_mem>>, %arg25: memref<!tpu.dma_semaphore, #tpu.memory_space<semaphore_mem>>, %arg26: memref<!tpu.dma_semaphore, #tpu.memory_space<semaphore_mem>>) attributes {dimension_semantics = [#tpu.dimension_semantics<core_parallel>, #tpu.dimension_semantics<subcore_parallel>], iteration_bounds = array<i64: 2, 16>, scalar_prefetch = 0 : i64, scratch_operands = 21 : i64, tpu.core_type = #tpu.core_type<sc_vector_subcore>, window_params = [{transform_indices = #map}, {transform_indices = #map1}, {transform_indices = #map2}, {transform_indices = #map2}]} {
    %scan3A = arith.constant 0 : i32
    %scan3A_0 = arith.constant 0 : i32
    %scan3A_1 = arith.constant 256 : i32
    %scan3A_2 = arith.addi %scan3A_0, %scan3A_1 : i32
    %scan3A_3 = arith.constant 1 : i32
    %scan3A_4 = scf.for %scan3A_408 = %scan3A_0 to %scan3A_2 step %scan3A_3 iter_args(%scan3A_409 = %scan3A) -> (i32)  : i32 {
      %jit3A = arith.constant 2 : i32
      %div3A = arith.divsi %scan3A_408, %jit3A : i32
      %sign3A = arith.constant 0 : i32
      %sign3A_410 = arith.cmpi sgt, %scan3A_408, %sign3A : i32
      %sign3A_411 = arith.extui %sign3A_410 : i1 to i32
      %sign3A_412 = arith.constant 0 : i32
      %sign3A_413 = arith.cmpi slt, %scan3A_408, %sign3A_412 : i32
      %sign3A_414 = arith.extui %sign3A_413 : i1 to i32
      %sign3A_415 = arith.subi %sign3A_411, %sign3A_414 : i32
      %sign3A_416 = arith.constant 0 : i32
      %sign3A_417 = arith.cmpi sgt, %jit3A, %sign3A_416 : i32
      %sign3A_418 = arith.extui %sign3A_417 : i1 to i32
      %sign3A_419 = arith.constant 0 : i32
      %sign3A_420 = arith.cmpi slt, %jit3A, %sign3A_419 : i32
      %sign3A_421 = arith.extui %sign3A_420 : i1 to i32
      %sign3A_422 = arith.subi %sign3A_418, %sign3A_421 : i32
      %ne3A = arith.cmpi ne, %sign3A_415, %sign3A_422 : i32
      %rem3A = arith.remsi %scan3A_408, %jit3A : i32
      %ne3A_423 = arith.constant 0 : i32
      %ne3A_424 = arith.cmpi ne, %rem3A, %ne3A_423 : i32
      %and3A = arith.andi %ne3A, %ne3A_424 : i1
      %sub3A = arith.constant 1 : i32
      %sub3A_425 = arith.subi %div3A, %sub3A : i32
      %select_n3A = arith.select %and3A, %sub3A_425, %div3A : i32
      %mul3A_426 = arith.constant 2 : i32
      %mul3A_427 = arith.muli %select_n3A, %mul3A_426 : i32
      %sub3A_428 = arith.subi %scan3A_408, %mul3A_427 : i32
      %mul3A_429 = arith.constant 32 : i32
      %mul3A_430 = arith.muli %sub3A_428, %mul3A_429 : i32
      %broadcast_in_dim3A = arith.constant 0.000000e+00 : bf16
      %broadcast_in_dim3A_431 = vector.broadcast %broadcast_in_dim3A : bf16 to vector<32xbf16>
      %swap3A = arith.index_cast %select_n3A : i32 to index
      %swap3A_432 = arith.index_cast %mul3A_430 : i32 to index
      %swap3A_433 = tpu.vector_load %arg9[%swap3A, %swap3A_432] {strides = array<i32>} : memref<128x64xbf16, #tpu.memory_space<vmem>>, vector<1x32xbf16>,
      %swap3A_434 = vector.shape_cast %swap3A_433 : vector<1x32xbf16> to vector<32xbf16>
      %swap3A_435 = vector.shape_cast %broadcast_in_dim3A_431 : vector<32xbf16> to vector<1x32xbf16>
      tpu.vector_store %arg9[%swap3A, %swap3A_432], %swap3A_435 {strides = array<i32>} : memref<128x64xbf16, #tpu.memory_space<vmem>>, vector<1x32xbf16>,
      %scan3A_436 = arith.constant 0 : i32
      scf.yield %scan3A_436 : i32
    }
    %scan3A_5 = arith.constant 256 : i32
    %scan3A_6 = arith.constant 0 : i32
    %scan3A_7 = arith.constant 0 : i32
    %scan3A_8 = arith.constant 5 : i32
    %scan3A_9 = arith.addi %scan3A_7, %scan3A_8 : i32
    %scan3A_10 = arith.constant 1 : i32
    %scan3A_11 = scf.for %scan3A_408 = %scan3A_7 to %scan3A_9 step %scan3A_10 iter_args(%scan3A_409 = %scan3A_6) -> (i32)  : i32 {
      %mul3A_410 = arith.constant 640 : i32
      %mul3A_411 = arith.muli %arg1, %mul3A_410 : i32
      %mul3A_412 = arith.constant 128 : i32
      %mul3A_413 = arith.muli %scan3A_408, %mul3A_412 : i32
      %add3A = arith.addi %mul3A_411, %mul3A_413 : i32
      "tpu.region"() ({
        %run_scoped3A = tpu.sem_alloc : memref<!tpu.dma_semaphore, #tpu.memory_space<semaphore_mem>>
        %dma_start3A_415 = arith.constant 0 : i32
        %dma_start3A_416 = tpu.memref_slice %arg10[%add3A, %dma_start3A_415] : memref<10240x64xbf16, #tpu.memory_space<vmem_shared>> -> memref<128x64xbf16, #tpu.memory_space<vmem_shared>>
        %dma_start3A_417 = arith.constant 0 : i32
        %dma_start3A_418 = tpu.memref_slice %arg10[%add3A, %dma_start3A_417] : memref<10240x64xbf16, #tpu.memory_space<vmem_shared>> -> memref<128x64xbf16, #tpu.memory_space<vmem_shared>>
        tpu.enqueue_dma source(%arg9 : memref<128x64xbf16, #tpu.memory_space<vmem>>) target(%dma_start3A_418 : memref<128x64xbf16, #tpu.memory_space<vmem_shared>>) target_semaphore(%run_scoped3A : memref<!tpu.dma_semaphore, #tpu.memory_space<semaphore_mem>>)
        %dma_wait3A_419 = arith.constant 0 : i32
        %dma_wait3A_420 = tpu.memref_slice %arg10[%add3A, %dma_wait3A_419] : memref<10240x64xbf16, #tpu.memory_space<vmem_shared>> -> memref<128x64xbf16, #tpu.memory_space<vmem_shared>>
        %dma_wait3A_421 = arith.constant 0 : i32
        %dma_wait3A_422 = tpu.memref_slice %arg10[%add3A, %dma_wait3A_421] : memref<10240x64xbf16, #tpu.memory_space<vmem_shared>> -> memref<128x64xbf16, #tpu.memory_space<vmem_shared>>
        tpu.wait_dma2 semaphore(%run_scoped3A : memref<!tpu.dma_semaphore, #tpu.memory_space<semaphore_mem>>) src(%arg9 : memref<128x64xbf16, #tpu.memory_space<vmem>>) dst(%dma_wait3A_422 : memref<128x64xbf16, #tpu.memory_space<vmem_shared>>)
        tpu.yield
      }) : () -> ()
      %scan3A_414 = arith.constant 0 : i32
      scf.yield %scan3A_414 : i32
    }
    %scan3A_12 = arith.constant 5 : i32
    %barrier3A = arith.constant 0 : index
    tpu.barrier barrier_id(%barrier3A)
    "tpu.region"() ({
      %run_scoped3A = tpu.sem_alloc : memref<!tpu.dma_semaphore, #tpu.memory_space<semaphore_mem>>
      %dma_start3A_408 = arith.constant 0 : i32
      %dma_start3A_409 = arith.constant 0 : i32
      %dma_start3A_410 = tpu.memref_slice %arg2[%arg0, %arg1, %dma_start3A_408, %dma_start3A_409] : memref<2x16x160x125xi32, #tpu.memory_space<hbm>> -> memref<1x1x160x125xi32, #tpu.memory_space<hbm>>
      %dma_start3A_411 = tpu.memref_squeeze %dma_start3A_410 : memref<1x1x160x125xi32, #tpu.memory_space<hbm>> -> memref<160x125xi32, #tpu.memory_space<hbm>>
      %dma_start3A_412 = arith.constant 0 : i32
      %dma_start3A_413 = arith.constant 0 : i32
      %dma_start3A_414 = tpu.memref_slice %arg2[%arg0, %arg1, %dma_start3A_412, %dma_start3A_413] : memref<2x16x160x125xi32, #tpu.memory_space<hbm>> -> memref<1x1x160x125xi32, #tpu.memory_space<hbm>>
      %dma_start3A_415 = tpu.memref_squeeze %dma_start3A_414 : memref<1x1x160x125xi32, #tpu.memory_space<hbm>> -> memref<160x125xi32, #tpu.memory_space<hbm>>
      tpu.enqueue_dma source(%dma_start3A_415 : memref<160x125xi32, #tpu.memory_space<hbm>>) target(%arg6 : memref<160x125xi32, #tpu.memory_space<vmem>>) target_semaphore(%run_scoped3A : memref<!tpu.dma_semaphore, #tpu.memory_space<semaphore_mem>>)
      %dma_wait3A_416 = arith.constant 0 : i32
      %dma_wait3A_417 = arith.constant 0 : i32
      %dma_wait3A_418 = tpu.memref_slice %arg2[%arg0, %arg1, %dma_wait3A_416, %dma_wait3A_417] : memref<2x16x160x125xi32, #tpu.memory_space<hbm>> -> memref<1x1x160x125xi32, #tpu.memory_space<hbm>>
      %dma_wait3A_419 = tpu.memref_squeeze %dma_wait3A_418 : memref<1x1x160x125xi32, #tpu.memory_space<hbm>> -> memref<160x125xi32, #tpu.memory_space<hbm>>
      %dma_wait3A_420 = arith.constant 0 : i32
      %dma_wait3A_421 = arith.constant 0 : i32
      %dma_wait3A_422 = tpu.memref_slice %arg2[%arg0, %arg1, %dma_wait3A_420, %dma_wait3A_421] : memref<2x16x160x125xi32, #tpu.memory_space<hbm>> -> memref<1x1x160x125xi32, #tpu.memory_space<hbm>>
      %dma_wait3A_423 = tpu.memref_squeeze %dma_wait3A_422 : memref<1x1x160x125xi32, #tpu.memory_space<hbm>> -> memref<160x125xi32, #tpu.memory_space<hbm>>
      tpu.wait_dma2 semaphore(%run_scoped3A : memref<!tpu.dma_semaphore, #tpu.memory_space<semaphore_mem>>) src(%dma_wait3A_423 : memref<160x125xi32, #tpu.memory_space<hbm>>) dst(%arg6 : memref<160x125xi32, #tpu.memory_space<vmem>>)
      tpu.yield
    }) : () -> ()
    "tpu.region"() ({
      %run_scoped3A = tpu.sem_alloc : memref<!tpu.dma_semaphore, #tpu.memory_space<semaphore_mem>>
      %dma_start3A_408 = arith.constant 0 : i32
      %dma_start3A_409 = arith.constant 0 : i32
      %dma_start3A_410 = tpu.memref_slice %arg3[%arg1, %dma_start3A_408, %dma_start3A_409] : memref<16x160x125xi32, #tpu.memory_space<hbm>> -> memref<1x160x125xi32, #tpu.memory_space<hbm>>
      %dma_start3A_411 = tpu.memref_squeeze %dma_start3A_410 : memref<1x160x125xi32, #tpu.memory_space<hbm>> -> memref<160x125xi32, #tpu.memory_space<hbm>>
      %dma_start3A_412 = arith.constant 0 : i32
      %dma_start3A_413 = arith.constant 0 : i32
      %dma_start3A_414 = tpu.memref_slice %arg3[%arg1, %dma_start3A_412, %dma_start3A_413] : memref<16x160x125xi32, #tpu.memory_space<hbm>> -> memref<1x160x125xi32, #tpu.memory_space<hbm>>
      %dma_start3A_415 = tpu.memref_squeeze %dma_start3A_414 : memref<1x160x125xi32, #tpu.memory_space<hbm>> -> memref<160x125xi32, #tpu.memory_space<hbm>>
      tpu.enqueue_dma source(%dma_start3A_415 : memref<160x125xi32, #tpu.memory_space<hbm>>) target(%arg7 : memref<160x125xi32, #tpu.memory_space<vmem>>) target_semaphore(%run_scoped3A : memref<!tpu.dma_semaphore, #tpu.memory_space<semaphore_mem>>)
      %dma_wait3A_416 = arith.constant 0 : i32
      %dma_wait3A_417 = arith.constant 0 : i32
      %dma_wait3A_418 = tpu.memref_slice %arg3[%arg1, %dma_wait3A_416, %dma_wait3A_417] : memref<16x160x125xi32, #tpu.memory_space<hbm>> -> memref<1x160x125xi32, #tpu.memory_space<hbm>>
      %dma_wait3A_419 = tpu.memref_squeeze %dma_wait3A_418 : memref<1x160x125xi32, #tpu.memory_space<hbm>> -> memref<160x125xi32, #tpu.memory_space<hbm>>
      %dma_wait3A_420 = arith.constant 0 : i32
      %dma_wait3A_421 = arith.constant 0 : i32
      %dma_wait3A_422 = tpu.memref_slice %arg3[%arg1, %dma_wait3A_420, %dma_wait3A_421] : memref<16x160x125xi32, #tpu.memory_space<hbm>> -> memref<1x160x125xi32, #tpu.memory_space<hbm>>
      %dma_wait3A_423 = tpu.memref_squeeze %dma_wait3A_422 : memref<1x160x125xi32, #tpu.memory_space<hbm>> -> memref<160x125xi32, #tpu.memory_space<hbm>>
      tpu.wait_dma2 semaphore(%run_scoped3A : memref<!tpu.dma_semaphore, #tpu.memory_space<semaphore_mem>>) src(%dma_wait3A_423 : memref<160x125xi32, #tpu.memory_space<hbm>>) dst(%arg7 : memref<160x125xi32, #tpu.memory_space<vmem>>)
      tpu.yield
    }) : () -> ()
    %dma_start3A = arith.constant 0 : i32
    %dma_start3A_13 = arith.constant 0 : i32
    %dma_start3A_14 = arith.constant 0 : i32
    %dma_start3A_15 = arith.constant 0 : i32
    %dma_start3A_16 = tpu.memref_slice %arg8[%dma_start3A_13, %dma_start3A_14, %dma_start3A_15] : memref<8x125x64xbf16, #tpu.memory_space<vmem>> -> memref<1x125x64xbf16, #tpu.memory_space<vmem>>
    %dma_start3A_17 = tpu.memref_squeeze %dma_start3A_16 : memref<1x125x64xbf16, #tpu.memory_space<vmem>> -> memref<125x64xbf16, #tpu.memory_space<vmem>>
    %dma_start3A_18 = arith.constant 0 : i32
    %dma_start3A_19 = tpu.memref_slice %arg6[%dma_start3A, %dma_start3A_18] : memref<160x125xi32, #tpu.memory_space<vmem>> -> memref<1x125xi32, #tpu.memory_space<vmem>>
    %dma_start3A_20 = tpu.memref_squeeze %dma_start3A_19 : memref<1x125xi32, #tpu.memory_space<vmem>> -> memref<125xi32, #tpu.memory_space<vmem>>
    %dma_start3A_21 = arith.constant 0 : i32
    %dma_start3A_22 = arith.constant 0 : i32
    %dma_start3A_23 = tpu.memref_slice %arg4[%dma_start3A_21, %dma_start3A_22] : memref<20000x64xbf16, #tpu.memory_space<hbm>> -> memref<20000x64xbf16, #tpu.memory_space<hbm>>
    tpu.enqueue_indirect_dma source(%dma_start3A_23 : memref<20000x64xbf16, #tpu.memory_space<hbm>>) target(%dma_start3A_17 : memref<125x64xbf16, #tpu.memory_space<vmem>>) offsets(%dma_start3A_20 : memref<125xi32, #tpu.memory_space<vmem>>) semaphore(%arg11 : memref<!tpu.dma_semaphore, #tpu.memory_space<semaphore_mem>>)
    %dma_start3A_24 = arith.constant 1 : i32
    %dma_start3A_25 = arith.constant 1 : i32
    %dma_start3A_26 = arith.constant 0 : i32
    %dma_start3A_27 = arith.constant 0 : i32
    %dma_start3A_28 = tpu.memref_slice %arg8[%dma_start3A_25, %dma_start3A_26, %dma_start3A_27] : memref<8x125x64xbf16, #tpu.memory_space<vmem>> -> memref<1x125x64xbf16, #tpu.memory_space<vmem>>
    %dma_start3A_29 = tpu.memref_squeeze %dma_start3A_28 : memref<1x125x64xbf16, #tpu.memory_space<vmem>> -> memref<125x64xbf16, #tpu.memory_space<vmem>>
    %dma_start3A_30 = arith.constant 0 : i32
    %dma_start3A_31 = tpu.memref_slice %arg6[%dma_start3A_24, %dma_start3A_30] : memref<160x125xi32, #tpu.memory_space<vmem>> -> memref<1x125xi32, #tpu.memory_space<vmem>>
    %dma_start3A_32 = tpu.memref_squeeze %dma_start3A_31 : memref<1x125xi32, #tpu.memory_space<vmem>> -> memref<125xi32, #tpu.memory_space<vmem>>
    %dma_start3A_33 = arith.constant 0 : i32
    %dma_start3A_34 = arith.constant 0 : i32
    %dma_start3A_35 = tpu.memref_slice %arg4[%dma_start3A_33, %dma_start3A_34] : memref<20000x64xbf16, #tpu.memory_space<hbm>> -> memref<20000x64xbf16, #tpu.memory_space<hbm>>
    tpu.enqueue_indirect_dma source(%dma_start3A_35 : memref<20000x64xbf16, #tpu.memory_space<hbm>>) target(%dma_start3A_29 : memref<125x64xbf16, #tpu.memory_space<vmem>>) offsets(%dma_start3A_32 : memref<125xi32, #tpu.memory_space<vmem>>) semaphore(%arg12 : memref<!tpu.dma_semaphore, #tpu.memory_space<semaphore_mem>>)
    %dma_start3A_36 = arith.constant 2 : i32
    %dma_start3A_37 = arith.constant 2 : i32
    %dma_start3A_38 = arith.constant 0 : i32
    %dma_start3A_39 = arith.constant 0 : i32
    %dma_start3A_40 = tpu.memref_slice %arg8[%dma_start3A_37, %dma_start3A_38, %dma_start3A_39] : memref<8x125x64xbf16, #tpu.memory_space<vmem>> -> memref<1x125x64xbf16, #tpu.memory_space<vmem>>
    %dma_start3A_41 = tpu.memref_squeeze %dma_start3A_40 : memref<1x125x64xbf16, #tpu.memory_space<vmem>> -> memref<125x64xbf16, #tpu.memory_space<vmem>>
    %dma_start3A_42 = arith.constant 0 : i32
    %dma_start3A_43 = tpu.memref_slice %arg6[%dma_start3A_36, %dma_start3A_42] : memref<160x125xi32, #tpu.memory_space<vmem>> -> memref<1x125xi32, #tpu.memory_space<vmem>>
    %dma_start3A_44 = tpu.memref_squeeze %dma_start3A_43 : memref<1x125xi32, #tpu.memory_space<vmem>> -> memref<125xi32, #tpu.memory_space<vmem>>
    %dma_start3A_45 = arith.constant 0 : i32
    %dma_start3A_46 = arith.constant 0 : i32
    %dma_start3A_47 = tpu.memref_slice %arg4[%dma_start3A_45, %dma_start3A_46] : memref<20000x64xbf16, #tpu.memory_space<hbm>> -> memref<20000x64xbf16, #tpu.memory_space<hbm>>
    tpu.enqueue_indirect_dma source(%dma_start3A_47 : memref<20000x64xbf16, #tpu.memory_space<hbm>>) target(%dma_start3A_41 : memref<125x64xbf16, #tpu.memory_space<vmem>>) offsets(%dma_start3A_44 : memref<125xi32, #tpu.memory_space<vmem>>) semaphore(%arg13 : memref<!tpu.dma_semaphore, #tpu.memory_space<semaphore_mem>>)
    %dma_start3A_48 = arith.constant 3 : i32
    %dma_start3A_49 = arith.constant 3 : i32
    %dma_start3A_50 = arith.constant 0 : i32
    %dma_start3A_51 = arith.constant 0 : i32
    %dma_start3A_52 = tpu.memref_slice %arg8[%dma_start3A_49, %dma_start3A_50, %dma_start3A_51] : memref<8x125x64xbf16, #tpu.memory_space<vmem>> -> memref<1x125x64xbf16, #tpu.memory_space<vmem>>
    %dma_start3A_53 = tpu.memref_squeeze %dma_start3A_52 : memref<1x125x64xbf16, #tpu.memory_space<vmem>> -> memref<125x64xbf16, #tpu.memory_space<vmem>>
    %dma_start3A_54 = arith.constant 0 : i32
    %dma_start3A_55 = tpu.memref_slice %arg6[%dma_start3A_48, %dma_start3A_54] : memref<160x125xi32, #tpu.memory_space<vmem>> -> memref<1x125xi32, #tpu.memory_space<vmem>>
    %dma_start3A_56 = tpu.memref_squeeze %dma_start3A_55 : memref<1x125xi32, #tpu.memory_space<vmem>> -> memref<125xi32, #tpu.memory_space<vmem>>
    %dma_start3A_57 = arith.constant 0 : i32
    %dma_start3A_58 = arith.constant 0 : i32
    %dma_start3A_59 = tpu.memref_slice %arg4[%dma_start3A_57, %dma_start3A_58] : memref<20000x64xbf16, #tpu.memory_space<hbm>> -> memref<20000x64xbf16, #tpu.memory_space<hbm>>
    tpu.enqueue_indirect_dma source(%dma_start3A_59 : memref<20000x64xbf16, #tpu.memory_space<hbm>>) target(%dma_start3A_53 : memref<125x64xbf16, #tpu.memory_space<vmem>>) offsets(%dma_start3A_56 : memref<125xi32, #tpu.memory_space<vmem>>) semaphore(%arg14 : memref<!tpu.dma_semaphore, #tpu.memory_space<semaphore_mem>>)
    %dma_start3A_60 = arith.constant 4 : i32
    %dma_start3A_61 = arith.constant 4 : i32
    %dma_start3A_62 = arith.constant 0 : i32
    %dma_start3A_63 = arith.constant 0 : i32
    %dma_start3A_64 = tpu.memref_slice %arg8[%dma_start3A_61, %dma_start3A_62, %dma_start3A_63] : memref<8x125x64xbf16, #tpu.memory_space<vmem>> -> memref<1x125x64xbf16, #tpu.memory_space<vmem>>
    %dma_start3A_65 = tpu.memref_squeeze %dma_start3A_64 : memref<1x125x64xbf16, #tpu.memory_space<vmem>> -> memref<125x64xbf16, #tpu.memory_space<vmem>>
    %dma_start3A_66 = arith.constant 0 : i32
    %dma_start3A_67 = tpu.memref_slice %arg6[%dma_start3A_60, %dma_start3A_66] : memref<160x125xi32, #tpu.memory_space<vmem>> -> memref<1x125xi32, #tpu.memory_space<vmem>>
    %dma_start3A_68 = tpu.memref_squeeze %dma_start3A_67 : memref<1x125xi32, #tpu.memory_space<vmem>> -> memref<125xi32, #tpu.memory_space<vmem>>
    %dma_start3A_69 = arith.constant 0 : i32
    %dma_start3A_70 = arith.constant 0 : i32
    %dma_start3A_71 = tpu.memref_slice %arg4[%dma_start3A_69, %dma_start3A_70] : memref<20000x64xbf16, #tpu.memory_space<hbm>> -> memref<20000x64xbf16, #tpu.memory_space<hbm>>
    tpu.enqueue_indirect_dma source(%dma_start3A_71 : memref<20000x64xbf16, #tpu.memory_space<hbm>>) target(%dma_start3A_65 : memref<125x64xbf16, #tpu.memory_space<vmem>>) offsets(%dma_start3A_68 : memref<125xi32, #tpu.memory_space<vmem>>) semaphore(%arg15 : memref<!tpu.dma_semaphore, #tpu.memory_space<semaphore_mem>>)
    %dma_start3A_72 = arith.constant 5 : i32
    %dma_start3A_73 = arith.constant 5 : i32
    %dma_start3A_74 = arith.constant 0 : i32
    %dma_start3A_75 = arith.constant 0 : i32
    %dma_start3A_76 = tpu.memref_slice %arg8[%dma_start3A_73, %dma_start3A_74, %dma_start3A_75] : memref<8x125x64xbf16, #tpu.memory_space<vmem>> -> memref<1x125x64xbf16, #tpu.memory_space<vmem>>
    %dma_start3A_77 = tpu.memref_squeeze %dma_start3A_76 : memref<1x125x64xbf16, #tpu.memory_space<vmem>> -> memref<125x64xbf16, #tpu.memory_space<vmem>>
    %dma_start3A_78 = arith.constant 0 : i32
    %dma_start3A_79 = tpu.memref_slice %arg6[%dma_start3A_72, %dma_start3A_78] : memref<160x125xi32, #tpu.memory_space<vmem>> -> memref<1x125xi32, #tpu.memory_space<vmem>>
    %dma_start3A_80 = tpu.memref_squeeze %dma_start3A_79 : memref<1x125xi32, #tpu.memory_space<vmem>> -> memref<125xi32, #tpu.memory_space<vmem>>
    %dma_start3A_81 = arith.constant 0 : i32
    %dma_start3A_82 = arith.constant 0 : i32
    %dma_start3A_83 = tpu.memref_slice %arg4[%dma_start3A_81, %dma_start3A_82] : memref<20000x64xbf16, #tpu.memory_space<hbm>> -> memref<20000x64xbf16, #tpu.memory_space<hbm>>
    tpu.enqueue_indirect_dma source(%dma_start3A_83 : memref<20000x64xbf16, #tpu.memory_space<hbm>>) target(%dma_start3A_77 : memref<125x64xbf16, #tpu.memory_space<vmem>>) offsets(%dma_start3A_80 : memref<125xi32, #tpu.memory_space<vmem>>) semaphore(%arg16 : memref<!tpu.dma_semaphore, #tpu.memory_space<semaphore_mem>>)
    %dma_start3A_84 = arith.constant 6 : i32
    %dma_start3A_85 = arith.constant 6 : i32
    %dma_start3A_86 = arith.constant 0 : i32
    %dma_start3A_87 = arith.constant 0 : i32
    %dma_start3A_88 = tpu.memref_slice %arg8[%dma_start3A_85, %dma_start3A_86, %dma_start3A_87] : memref<8x125x64xbf16, #tpu.memory_space<vmem>> -> memref<1x125x64xbf16, #tpu.memory_space<vmem>>
    %dma_start3A_89 = tpu.memref_squeeze %dma_start3A_88 : memref<1x125x64xbf16, #tpu.memory_space<vmem>> -> memref<125x64xbf16, #tpu.memory_space<vmem>>
    %dma_start3A_90 = arith.constant 0 : i32
    %dma_start3A_91 = tpu.memref_slice %arg6[%dma_start3A_84, %dma_start3A_90] : memref<160x125xi32, #tpu.memory_space<vmem>> -> memref<1x125xi32, #tpu.memory_space<vmem>>
    %dma_start3A_92 = tpu.memref_squeeze %dma_start3A_91 : memref<1x125xi32, #tpu.memory_space<vmem>> -> memref<125xi32, #tpu.memory_space<vmem>>
    %dma_start3A_93 = arith.constant 0 : i32
    %dma_start3A_94 = arith.constant 0 : i32
    %dma_start3A_95 = tpu.memref_slice %arg4[%dma_start3A_93, %dma_start3A_94] : memref<20000x64xbf16, #tpu.memory_space<hbm>> -> memref<20000x64xbf16, #tpu.memory_space<hbm>>
    tpu.enqueue_indirect_dma source(%dma_start3A_95 : memref<20000x64xbf16, #tpu.memory_space<hbm>>) target(%dma_start3A_89 : memref<125x64xbf16, #tpu.memory_space<vmem>>) offsets(%dma_start3A_92 : memref<125xi32, #tpu.memory_space<vmem>>) semaphore(%arg17 : memref<!tpu.dma_semaphore, #tpu.memory_space<semaphore_mem>>)
    %dma_start3A_96 = arith.constant 7 : i32
    %dma_start3A_97 = arith.constant 7 : i32
    %dma_start3A_98 = arith.constant 0 : i32
    %dma_start3A_99 = arith.constant 0 : i32
    %dma_start3A_100 = tpu.memref_slice %arg8[%dma_start3A_97, %dma_start3A_98, %dma_start3A_99] : memref<8x125x64xbf16, #tpu.memory_space<vmem>> -> memref<1x125x64xbf16, #tpu.memory_space<vmem>>
    %dma_start3A_101 = tpu.memref_squeeze %dma_start3A_100 : memref<1x125x64xbf16, #tpu.memory_space<vmem>> -> memref<125x64xbf16, #tpu.memory_space<vmem>>
    %dma_start3A_102 = arith.constant 0 : i32
    %dma_start3A_103 = tpu.memref_slice %arg6[%dma_start3A_96, %dma_start3A_102] : memref<160x125xi32, #tpu.memory_space<vmem>> -> memref<1x125xi32, #tpu.memory_space<vmem>>
    %dma_start3A_104 = tpu.memref_squeeze %dma_start3A_103 : memref<1x125xi32, #tpu.memory_space<vmem>> -> memref<125xi32, #tpu.memory_space<vmem>>
    %dma_start3A_105 = arith.constant 0 : i32
    %dma_start3A_106 = arith.constant 0 : i32
    %dma_start3A_107 = tpu.memref_slice %arg4[%dma_start3A_105, %dma_start3A_106] : memref<20000x64xbf16, #tpu.memory_space<hbm>> -> memref<20000x64xbf16, #tpu.memory_space<hbm>>
    tpu.enqueue_indirect_dma source(%dma_start3A_107 : memref<20000x64xbf16, #tpu.memory_space<hbm>>) target(%dma_start3A_101 : memref<125x64xbf16, #tpu.memory_space<vmem>>) offsets(%dma_start3A_104 : memref<125xi32, #tpu.memory_space<vmem>>) semaphore(%arg18 : memref<!tpu.dma_semaphore, #tpu.memory_space<semaphore_mem>>)
    %scan3A_108 = arith.constant 0 : i32
    %scan3A_109 = arith.constant 0 : i32
    %scan3A_110 = arith.constant 19 : i32
    %scan3A_111 = arith.addi %scan3A_109, %scan3A_110 : i32
    %scan3A_112 = arith.constant 1 : i32
    %scan3A_113 = scf.for %scan3A_408 = %scan3A_109 to %scan3A_111 step %scan3A_112 iter_args(%scan3A_409 = %scan3A_108) -> (i32)  : i32 {
      %mul3A_410 = arith.constant 8 : i32
      %mul3A_411 = arith.muli %scan3A_408, %mul3A_410 : i32
      %add3A = arith.constant 0 : i32
      %add3A_412 = arith.addi %mul3A_411, %add3A : i32
      %dma_wait3A_413 = arith.constant 0 : i32
      %dma_wait3A_414 = arith.constant 0 : i32
      %dma_wait3A_415 = arith.constant 0 : i32
      %dma_wait3A_416 = tpu.memref_slice %arg8[%dma_wait3A_413, %dma_wait3A_414, %dma_wait3A_415] : memref<8x125x64xbf16, #tpu.memory_space<vmem>> -> memref<1x125x64xbf16, #tpu.memory_space<vmem>>
      %dma_wait3A_417 = tpu.memref_squeeze %dma_wait3A_416 : memref<1x125x64xbf16, #tpu.memory_space<vmem>> -> memref<125x64xbf16, #tpu.memory_space<vmem>>
      %dma_wait3A_418 = arith.constant 0 : i32
      %dma_wait3A_419 = tpu.memref_slice %arg6[%add3A_412, %dma_wait3A_418] : memref<160x125xi32, #tpu.memory_space<vmem>> -> memref<1x125xi32, #tpu.memory_space<vmem>>
      %dma_wait3A_420 = tpu.memref_squeeze %dma_wait3A_419 : memref<1x125xi32, #tpu.memory_space<vmem>> -> memref<125xi32, #tpu.memory_space<vmem>>
      %dma_wait3A_421 = arith.constant 0 : i32
      %dma_wait3A_422 = arith.constant 0 : i32
      %dma_wait3A_423 = tpu.memref_slice %arg4[%dma_wait3A_421, %dma_wait3A_422] : memref<20000x64xbf16, #tpu.memory_space<hbm>> -> memref<20000x64xbf16, #tpu.memory_space<hbm>>
      tpu.wait_indirect_dma semaphore(%arg11 : memref<!tpu.dma_semaphore, #tpu.memory_space<semaphore_mem>>) src(%dma_wait3A_423 : memref<20000x64xbf16, #tpu.memory_space<hbm>>) dst(%dma_wait3A_417 : memref<125x64xbf16, #tpu.memory_space<vmem>>)
      %add3A_424 = arith.constant 0 : i32
      %add3A_425 = arith.addi %mul3A_411, %add3A_424 : i32
      %dma_start3A_426 = arith.constant 0 : i32
      %dma_start3A_427 = arith.constant 0 : i32
      %dma_start3A_428 = arith.constant 0 : i32
      %dma_start3A_429 = tpu.memref_slice %arg8[%dma_start3A_426, %dma_start3A_427, %dma_start3A_428] : memref<8x125x64xbf16, #tpu.memory_space<vmem>> -> memref<1x125x64xbf16, #tpu.memory_space<vmem>>
      %dma_start3A_430 = tpu.memref_squeeze %dma_start3A_429 : memref<1x125x64xbf16, #tpu.memory_space<vmem>> -> memref<125x64xbf16, #tpu.memory_space<vmem>>
      %dma_start3A_431 = arith.constant 0 : i32
      %dma_start3A_432 = tpu.memref_slice %arg7[%add3A_425, %dma_start3A_431] : memref<160x125xi32, #tpu.memory_space<vmem>> -> memref<1x125xi32, #tpu.memory_space<vmem>>
      %dma_start3A_433 = tpu.memref_squeeze %dma_start3A_432 : memref<1x125xi32, #tpu.memory_space<vmem>> -> memref<125xi32, #tpu.memory_space<vmem>>
      %dma_start3A_434 = arith.constant 0 : i32
      %dma_start3A_435 = arith.constant 0 : i32
      %dma_start3A_436 = tpu.memref_slice %arg10[%dma_start3A_434, %dma_start3A_435] : memref<10240x64xbf16, #tpu.memory_space<vmem_shared>> -> memref<10240x64xbf16, #tpu.memory_space<vmem_shared>>
      tpu.enqueue_indirect_dma source(%dma_start3A_430 : memref<125x64xbf16, #tpu.memory_space<vmem>>) target(%dma_start3A_436 : memref<10240x64xbf16, #tpu.memory_space<vmem_shared>>) offsets(%dma_start3A_433 : memref<125xi32, #tpu.memory_space<vmem>>) semaphore(%arg19 : memref<!tpu.dma_semaphore, #tpu.memory_space<semaphore_mem>>) {add = true}
      %add3A_437 = arith.constant 1 : i32
      %add3A_438 = arith.addi %mul3A_411, %add3A_437 : i32
      %dma_wait3A_439 = arith.constant 1 : i32
      %dma_wait3A_440 = arith.constant 0 : i32
      %dma_wait3A_441 = arith.constant 0 : i32
      %dma_wait3A_442 = tpu.memref_slice %arg8[%dma_wait3A_439, %dma_wait3A_440, %dma_wait3A_441] : memref<8x125x64xbf16, #tpu.memory_space<vmem>> -> memref<1x125x64xbf16, #tpu.memory_space<vmem>>
      %dma_wait3A_443 = tpu.memref_squeeze %dma_wait3A_442 : memref<1x125x64xbf16, #tpu.memory_space<vmem>> -> memref<125x64xbf16, #tpu.memory_space<vmem>>
      %dma_wait3A_444 = arith.constant 0 : i32
      %dma_wait3A_445 = tpu.memref_slice %arg6[%add3A_438, %dma_wait3A_444] : memref<160x125xi32, #tpu.memory_space<vmem>> -> memref<1x125xi32, #tpu.memory_space<vmem>>
      %dma_wait3A_446 = tpu.memref_squeeze %dma_wait3A_445 : memref<1x125xi32, #tpu.memory_space<vmem>> -> memref<125xi32, #tpu.memory_space<vmem>>
      %dma_wait3A_447 = arith.constant 0 : i32
      %dma_wait3A_448 = arith.constant 0 : i32
      %dma_wait3A_449 = tpu.memref_slice %arg4[%dma_wait3A_447, %dma_wait3A_448] : memref<20000x64xbf16, #tpu.memory_space<hbm>> -> memref<20000x64xbf16, #tpu.memory_space<hbm>>
      tpu.wait_indirect_dma semaphore(%arg12 : memref<!tpu.dma_semaphore, #tpu.memory_space<semaphore_mem>>) src(%dma_wait3A_449 : memref<20000x64xbf16, #tpu.memory_space<hbm>>) dst(%dma_wait3A_443 : memref<125x64xbf16, #tpu.memory_space<vmem>>)
      %add3A_450 = arith.constant 1 : i32
      %add3A_451 = arith.addi %mul3A_411, %add3A_450 : i32
      %dma_start3A_452 = arith.constant 1 : i32
      %dma_start3A_453 = arith.constant 0 : i32
      %dma_start3A_454 = arith.constant 0 : i32
      %dma_start3A_455 = tpu.memref_slice %arg8[%dma_start3A_452, %dma_start3A_453, %dma_start3A_454] : memref<8x125x64xbf16, #tpu.memory_space<vmem>> -> memref<1x125x64xbf16, #tpu.memory_space<vmem>>
      %dma_start3A_456 = tpu.memref_squeeze %dma_start3A_455 : memref<1x125x64xbf16, #tpu.memory_space<vmem>> -> memref<125x64xbf16, #tpu.memory_space<vmem>>
      %dma_start3A_457 = arith.constant 0 : i32
      %dma_start3A_458 = tpu.memref_slice %arg7[%add3A_451, %dma_start3A_457] : memref<160x125xi32, #tpu.memory_space<vmem>> -> memref<1x125xi32, #tpu.memory_space<vmem>>
      %dma_start3A_459 = tpu.memref_squeeze %dma_start3A_458 : memref<1x125xi32, #tpu.memory_space<vmem>> -> memref<125xi32, #tpu.memory_space<vmem>>
      %dma_start3A_460 = arith.constant 0 : i32
      %dma_start3A_461 = arith.constant 0 : i32
      %dma_start3A_462 = tpu.memref_slice %arg10[%dma_start3A_460, %dma_start3A_461] : memref<10240x64xbf16, #tpu.memory_space<vmem_shared>> -> memref<10240x64xbf16, #tpu.memory_space<vmem_shared>>
      tpu.enqueue_indirect_dma source(%dma_start3A_456 : memref<125x64xbf16, #tpu.memory_space<vmem>>) target(%dma_start3A_462 : memref<10240x64xbf16, #tpu.memory_space<vmem_shared>>) offsets(%dma_start3A_459 : memref<125xi32, #tpu.memory_space<vmem>>) semaphore(%arg20 : memref<!tpu.dma_semaphore, #tpu.memory_space<semaphore_mem>>) {add = true}
      %add3A_463 = arith.constant 2 : i32
      %add3A_464 = arith.addi %mul3A_411, %add3A_463 : i32
      %dma_wait3A_465 = arith.constant 2 : i32
      %dma_wait3A_466 = arith.constant 0 : i32
      %dma_wait3A_467 = arith.constant 0 : i32
      %dma_wait3A_468 = tpu.memref_slice %arg8[%dma_wait3A_465, %dma_wait3A_466, %dma_wait3A_467] : memref<8x125x64xbf16, #tpu.memory_space<vmem>> -> memref<1x125x64xbf16, #tpu.memory_space<vmem>>
      %dma_wait3A_469 = tpu.memref_squeeze %dma_wait3A_468 : memref<1x125x64xbf16, #tpu.memory_space<vmem>> -> memref<125x64xbf16, #tpu.memory_space<vmem>>
      %dma_wait3A_470 = arith.constant 0 : i32
      %dma_wait3A_471 = tpu.memref_slice %arg6[%add3A_464, %dma_wait3A_470] : memref<160x125xi32, #tpu.memory_space<vmem>> -> memref<1x125xi32, #tpu.memory_space<vmem>>
      %dma_wait3A_472 = tpu.memref_squeeze %dma_wait3A_471 : memref<1x125xi32, #tpu.memory_space<vmem>> -> memref<125xi32, #tpu.memory_space<vmem>>
      %dma_wait3A_473 = arith.constant 0 : i32
      %dma_wait3A_474 = arith.constant 0 : i32
      %dma_wait3A_475 = tpu.memref_slice %arg4[%dma_wait3A_473, %dma_wait3A_474] : memref<20000x64xbf16, #tpu.memory_space<hbm>> -> memref<20000x64xbf16, #tpu.memory_space<hbm>>
      tpu.wait_indirect_dma semaphore(%arg13 : memref<!tpu.dma_semaphore, #tpu.memory_space<semaphore_mem>>) src(%dma_wait3A_475 : memref<20000x64xbf16, #tpu.memory_space<hbm>>) dst(%dma_wait3A_469 : memref<125x64xbf16, #tpu.memory_space<vmem>>)
      %add3A_476 = arith.constant 2 : i32
      %add3A_477 = arith.addi %mul3A_411, %add3A_476 : i32
      %dma_start3A_478 = arith.constant 2 : i32
      %dma_start3A_479 = arith.constant 0 : i32
      %dma_start3A_480 = arith.constant 0 : i32
      %dma_start3A_481 = tpu.memref_slice %arg8[%dma_start3A_478, %dma_start3A_479, %dma_start3A_480] : memref<8x125x64xbf16, #tpu.memory_space<vmem>> -> memref<1x125x64xbf16, #tpu.memory_space<vmem>>
      %dma_start3A_482 = tpu.memref_squeeze %dma_start3A_481 : memref<1x125x64xbf16, #tpu.memory_space<vmem>> -> memref<125x64xbf16, #tpu.memory_space<vmem>>
      %dma_start3A_483 = arith.constant 0 : i32
      %dma_start3A_484 = tpu.memref_slice %arg7[%add3A_477, %dma_start3A_483] : memref<160x125xi32, #tpu.memory_space<vmem>> -> memref<1x125xi32, #tpu.memory_space<vmem>>
      %dma_start3A_485 = tpu.memref_squeeze %dma_start3A_484 : memref<1x125xi32, #tpu.memory_space<vmem>> -> memref<125xi32, #tpu.memory_space<vmem>>
      %dma_start3A_486 = arith.constant 0 : i32
      %dma_start3A_487 = arith.constant 0 : i32
      %dma_start3A_488 = tpu.memref_slice %arg10[%dma_start3A_486, %dma_start3A_487] : memref<10240x64xbf16, #tpu.memory_space<vmem_shared>> -> memref<10240x64xbf16, #tpu.memory_space<vmem_shared>>
      tpu.enqueue_indirect_dma source(%dma_start3A_482 : memref<125x64xbf16, #tpu.memory_space<vmem>>) target(%dma_start3A_488 : memref<10240x64xbf16, #tpu.memory_space<vmem_shared>>) offsets(%dma_start3A_485 : memref<125xi32, #tpu.memory_space<vmem>>) semaphore(%arg21 : memref<!tpu.dma_semaphore, #tpu.memory_space<semaphore_mem>>) {add = true}
      %add3A_489 = arith.constant 3 : i32
      %add3A_490 = arith.addi %mul3A_411, %add3A_489 : i32
      %dma_wait3A_491 = arith.constant 3 : i32
      %dma_wait3A_492 = arith.constant 0 : i32
      %dma_wait3A_493 = arith.constant 0 : i32
      %dma_wait3A_494 = tpu.memref_slice %arg8[%dma_wait3A_491, %dma_wait3A_492, %dma_wait3A_493] : memref<8x125x64xbf16, #tpu.memory_space<vmem>> -> memref<1x125x64xbf16, #tpu.memory_space<vmem>>
      %dma_wait3A_495 = tpu.memref_squeeze %dma_wait3A_494 : memref<1x125x64xbf16, #tpu.memory_space<vmem>> -> memref<125x64xbf16, #tpu.memory_space<vmem>>
      %dma_wait3A_496 = arith.constant 0 : i32
      %dma_wait3A_497 = tpu.memref_slice %arg6[%add3A_490, %dma_wait3A_496] : memref<160x125xi32, #tpu.memory_space<vmem>> -> memref<1x125xi32, #tpu.memory_space<vmem>>
      %dma_wait3A_498 = tpu.memref_squeeze %dma_wait3A_497 : memref<1x125xi32, #tpu.memory_space<vmem>> -> memref<125xi32, #tpu.memory_space<vmem>>
      %dma_wait3A_499 = arith.constant 0 : i32
      %dma_wait3A_500 = arith.constant 0 : i32
      %dma_wait3A_501 = tpu.memref_slice %arg4[%dma_wait3A_499, %dma_wait3A_500] : memref<20000x64xbf16, #tpu.memory_space<hbm>> -> memref<20000x64xbf16, #tpu.memory_space<hbm>>
      tpu.wait_indirect_dma semaphore(%arg14 : memref<!tpu.dma_semaphore, #tpu.memory_space<semaphore_mem>>) src(%dma_wait3A_501 : memref<20000x64xbf16, #tpu.memory_space<hbm>>) dst(%dma_wait3A_495 : memref<125x64xbf16, #tpu.memory_space<vmem>>)
      %add3A_502 = arith.constant 3 : i32
      %add3A_503 = arith.addi %mul3A_411, %add3A_502 : i32
      %dma_start3A_504 = arith.constant 3 : i32
      %dma_start3A_505 = arith.constant 0 : i32
      %dma_start3A_506 = arith.constant 0 : i32
      %dma_start3A_507 = tpu.memref_slice %arg8[%dma_start3A_504, %dma_start3A_505, %dma_start3A_506] : memref<8x125x64xbf16, #tpu.memory_space<vmem>> -> memref<1x125x64xbf16, #tpu.memory_space<vmem>>
      %dma_start3A_508 = tpu.memref_squeeze %dma_start3A_507 : memref<1x125x64xbf16, #tpu.memory_space<vmem>> -> memref<125x64xbf16, #tpu.memory_space<vmem>>
      %dma_start3A_509 = arith.constant 0 : i32
      %dma_start3A_510 = tpu.memref_slice %arg7[%add3A_503, %dma_start3A_509] : memref<160x125xi32, #tpu.memory_space<vmem>> -> memref<1x125xi32, #tpu.memory_space<vmem>>
      %dma_start3A_511 = tpu.memref_squeeze %dma_start3A_510 : memref<1x125xi32, #tpu.memory_space<vmem>> -> memref<125xi32, #tpu.memory_space<vmem>>
      %dma_start3A_512 = arith.constant 0 : i32
      %dma_start3A_513 = arith.constant 0 : i32
      %dma_start3A_514 = tpu.memref_slice %arg10[%dma_start3A_512, %dma_start3A_513] : memref<10240x64xbf16, #tpu.memory_space<vmem_shared>> -> memref<10240x64xbf16, #tpu.memory_space<vmem_shared>>
      tpu.enqueue_indirect_dma source(%dma_start3A_508 : memref<125x64xbf16, #tpu.memory_space<vmem>>) target(%dma_start3A_514 : memref<10240x64xbf16, #tpu.memory_space<vmem_shared>>) offsets(%dma_start3A_511 : memref<125xi32, #tpu.memory_space<vmem>>) semaphore(%arg22 : memref<!tpu.dma_semaphore, #tpu.memory_space<semaphore_mem>>) {add = true}
      %add3A_515 = arith.constant 4 : i32
      %add3A_516 = arith.addi %mul3A_411, %add3A_515 : i32
      %dma_wait3A_517 = arith.constant 4 : i32
      %dma_wait3A_518 = arith.constant 0 : i32
      %dma_wait3A_519 = arith.constant 0 : i32
      %dma_wait3A_520 = tpu.memref_slice %arg8[%dma_wait3A_517, %dma_wait3A_518, %dma_wait3A_519] : memref<8x125x64xbf16, #tpu.memory_space<vmem>> -> memref<1x125x64xbf16, #tpu.memory_space<vmem>>
      %dma_wait3A_521 = tpu.memref_squeeze %dma_wait3A_520 : memref<1x125x64xbf16, #tpu.memory_space<vmem>> -> memref<125x64xbf16, #tpu.memory_space<vmem>>
      %dma_wait3A_522 = arith.constant 0 : i32
      %dma_wait3A_523 = tpu.memref_slice %arg6[%add3A_516, %dma_wait3A_522] : memref<160x125xi32, #tpu.memory_space<vmem>> -> memref<1x125xi32, #tpu.memory_space<vmem>>
      %dma_wait3A_524 = tpu.memref_squeeze %dma_wait3A_523 : memref<1x125xi32, #tpu.memory_space<vmem>> -> memref<125xi32, #tpu.memory_space<vmem>>
      %dma_wait3A_525 = arith.constant 0 : i32
      %dma_wait3A_526 = arith.constant 0 : i32
      %dma_wait3A_527 = tpu.memref_slice %arg4[%dma_wait3A_525, %dma_wait3A_526] : memref<20000x64xbf16, #tpu.memory_space<hbm>> -> memref<20000x64xbf16, #tpu.memory_space<hbm>>
      tpu.wait_indirect_dma semaphore(%arg15 : memref<!tpu.dma_semaphore, #tpu.memory_space<semaphore_mem>>) src(%dma_wait3A_527 : memref<20000x64xbf16, #tpu.memory_space<hbm>>) dst(%dma_wait3A_521 : memref<125x64xbf16, #tpu.memory_space<vmem>>)
      %add3A_528 = arith.constant 4 : i32
      %add3A_529 = arith.addi %mul3A_411, %add3A_528 : i32
      %dma_start3A_530 = arith.constant 4 : i32
      %dma_start3A_531 = arith.constant 0 : i32
      %dma_start3A_532 = arith.constant 0 : i32
      %dma_start3A_533 = tpu.memref_slice %arg8[%dma_start3A_530, %dma_start3A_531, %dma_start3A_532] : memref<8x125x64xbf16, #tpu.memory_space<vmem>> -> memref<1x125x64xbf16, #tpu.memory_space<vmem>>
      %dma_start3A_534 = tpu.memref_squeeze %dma_start3A_533 : memref<1x125x64xbf16, #tpu.memory_space<vmem>> -> memref<125x64xbf16, #tpu.memory_space<vmem>>
      %dma_start3A_535 = arith.constant 0 : i32
      %dma_start3A_536 = tpu.memref_slice %arg7[%add3A_529, %dma_start3A_535] : memref<160x125xi32, #tpu.memory_space<vmem>> -> memref<1x125xi32, #tpu.memory_space<vmem>>
      %dma_start3A_537 = tpu.memref_squeeze %dma_start3A_536 : memref<1x125xi32, #tpu.memory_space<vmem>> -> memref<125xi32, #tpu.memory_space<vmem>>
      %dma_start3A_538 = arith.constant 0 : i32
      %dma_start3A_539 = arith.constant 0 : i32
      %dma_start3A_540 = tpu.memref_slice %arg10[%dma_start3A_538, %dma_start3A_539] : memref<10240x64xbf16, #tpu.memory_space<vmem_shared>> -> memref<10240x64xbf16, #tpu.memory_space<vmem_shared>>
      tpu.enqueue_indirect_dma source(%dma_start3A_534 : memref<125x64xbf16, #tpu.memory_space<vmem>>) target(%dma_start3A_540 : memref<10240x64xbf16, #tpu.memory_space<vmem_shared>>) offsets(%dma_start3A_537 : memref<125xi32, #tpu.memory_space<vmem>>) semaphore(%arg23 : memref<!tpu.dma_semaphore, #tpu.memory_space<semaphore_mem>>) {add = true}
      %add3A_541 = arith.constant 5 : i32
      %add3A_542 = arith.addi %mul3A_411, %add3A_541 : i32
      %dma_wait3A_543 = arith.constant 5 : i32
      %dma_wait3A_544 = arith.constant 0 : i32
      %dma_wait3A_545 = arith.constant 0 : i32
      %dma_wait3A_546 = tpu.memref_slice %arg8[%dma_wait3A_543, %dma_wait3A_544, %dma_wait3A_545] : memref<8x125x64xbf16, #tpu.memory_space<vmem>> -> memref<1x125x64xbf16, #tpu.memory_space<vmem>>
      %dma_wait3A_547 = tpu.memref_squeeze %dma_wait3A_546 : memref<1x125x64xbf16, #tpu.memory_space<vmem>> -> memref<125x64xbf16, #tpu.memory_space<vmem>>
      %dma_wait3A_548 = arith.constant 0 : i32
      %dma_wait3A_549 = tpu.memref_slice %arg6[%add3A_542, %dma_wait3A_548] : memref<160x125xi32, #tpu.memory_space<vmem>> -> memref<1x125xi32, #tpu.memory_space<vmem>>
      %dma_wait3A_550 = tpu.memref_squeeze %dma_wait3A_549 : memref<1x125xi32, #tpu.memory_space<vmem>> -> memref<125xi32, #tpu.memory_space<vmem>>
      %dma_wait3A_551 = arith.constant 0 : i32
      %dma_wait3A_552 = arith.constant 0 : i32
      %dma_wait3A_553 = tpu.memref_slice %arg4[%dma_wait3A_551, %dma_wait3A_552] : memref<20000x64xbf16, #tpu.memory_space<hbm>> -> memref<20000x64xbf16, #tpu.memory_space<hbm>>
      tpu.wait_indirect_dma semaphore(%arg16 : memref<!tpu.dma_semaphore, #tpu.memory_space<semaphore_mem>>) src(%dma_wait3A_553 : memref<20000x64xbf16, #tpu.memory_space<hbm>>) dst(%dma_wait3A_547 : memref<125x64xbf16, #tpu.memory_space<vmem>>)
      %add3A_554 = arith.constant 5 : i32
      %add3A_555 = arith.addi %mul3A_411, %add3A_554 : i32
      %dma_start3A_556 = arith.constant 5 : i32
      %dma_start3A_557 = arith.constant 0 : i32
      %dma_start3A_558 = arith.constant 0 : i32
      %dma_start3A_559 = tpu.memref_slice %arg8[%dma_start3A_556, %dma_start3A_557, %dma_start3A_558] : memref<8x125x64xbf16, #tpu.memory_space<vmem>> -> memref<1x125x64xbf16, #tpu.memory_space<vmem>>
      %dma_start3A_560 = tpu.memref_squeeze %dma_start3A_559 : memref<1x125x64xbf16, #tpu.memory_space<vmem>> -> memref<125x64xbf16, #tpu.memory_space<vmem>>
      %dma_start3A_561 = arith.constant 0 : i32
      %dma_start3A_562 = tpu.memref_slice %arg7[%add3A_555, %dma_start3A_561] : memref<160x125xi32, #tpu.memory_space<vmem>> -> memref<1x125xi32, #tpu.memory_space<vmem>>
      %dma_start3A_563 = tpu.memref_squeeze %dma_start3A_562 : memref<1x125xi32, #tpu.memory_space<vmem>> -> memref<125xi32, #tpu.memory_space<vmem>>
      %dma_start3A_564 = arith.constant 0 : i32
      %dma_start3A_565 = arith.constant 0 : i32
      %dma_start3A_566 = tpu.memref_slice %arg10[%dma_start3A_564, %dma_start3A_565] : memref<10240x64xbf16, #tpu.memory_space<vmem_shared>> -> memref<10240x64xbf16, #tpu.memory_space<vmem_shared>>
      tpu.enqueue_indirect_dma source(%dma_start3A_560 : memref<125x64xbf16, #tpu.memory_space<vmem>>) target(%dma_start3A_566 : memref<10240x64xbf16, #tpu.memory_space<vmem_shared>>) offsets(%dma_start3A_563 : memref<125xi32, #tpu.memory_space<vmem>>) semaphore(%arg24 : memref<!tpu.dma_semaphore, #tpu.memory_space<semaphore_mem>>) {add = true}
      %add3A_567 = arith.constant 6 : i32
      %add3A_568 = arith.addi %mul3A_411, %add3A_567 : i32
      %dma_wait3A_569 = arith.constant 6 : i32
      %dma_wait3A_570 = arith.constant 0 : i32
      %dma_wait3A_571 = arith.constant 0 : i32
      %dma_wait3A_572 = tpu.memref_slice %arg8[%dma_wait3A_569, %dma_wait3A_570, %dma_wait3A_571] : memref<8x125x64xbf16, #tpu.memory_space<vmem>> -> memref<1x125x64xbf16, #tpu.memory_space<vmem>>
      %dma_wait3A_573 = tpu.memref_squeeze %dma_wait3A_572 : memref<1x125x64xbf16, #tpu.memory_space<vmem>> -> memref<125x64xbf16, #tpu.memory_space<vmem>>
      %dma_wait3A_574 = arith.constant 0 : i32
      %dma_wait3A_575 = tpu.memref_slice %arg6[%add3A_568, %dma_wait3A_574] : memref<160x125xi32, #tpu.memory_space<vmem>> -> memref<1x125xi32, #tpu.memory_space<vmem>>
      %dma_wait3A_576 = tpu.memref_squeeze %dma_wait3A_575 : memref<1x125xi32, #tpu.memory_space<vmem>> -> memref<125xi32, #tpu.memory_space<vmem>>
      %dma_wait3A_577 = arith.constant 0 : i32
      %dma_wait3A_578 = arith.constant 0 : i32
      %dma_wait3A_579 = tpu.memref_slice %arg4[%dma_wait3A_577, %dma_wait3A_578] : memref<20000x64xbf16, #tpu.memory_space<hbm>> -> memref<20000x64xbf16, #tpu.memory_space<hbm>>
      tpu.wait_indirect_dma semaphore(%arg17 : memref<!tpu.dma_semaphore, #tpu.memory_space<semaphore_mem>>) src(%dma_wait3A_579 : memref<20000x64xbf16, #tpu.memory_space<hbm>>) dst(%dma_wait3A_573 : memref<125x64xbf16, #tpu.memory_space<vmem>>)
      %add3A_580 = arith.constant 6 : i32
      %add3A_581 = arith.addi %mul3A_411, %add3A_580 : i32
      %dma_start3A_582 = arith.constant 6 : i32
      %dma_start3A_583 = arith.constant 0 : i32
      %dma_start3A_584 = arith.constant 0 : i32
      %dma_start3A_585 = tpu.memref_slice %arg8[%dma_start3A_582, %dma_start3A_583, %dma_start3A_584] : memref<8x125x64xbf16, #tpu.memory_space<vmem>> -> memref<1x125x64xbf16, #tpu.memory_space<vmem>>
      %dma_start3A_586 = tpu.memref_squeeze %dma_start3A_585 : memref<1x125x64xbf16, #tpu.memory_space<vmem>> -> memref<125x64xbf16, #tpu.memory_space<vmem>>
      %dma_start3A_587 = arith.constant 0 : i32
      %dma_start3A_588 = tpu.memref_slice %arg7[%add3A_581, %dma_start3A_587] : memref<160x125xi32, #tpu.memory_space<vmem>> -> memref<1x125xi32, #tpu.memory_space<vmem>>
      %dma_start3A_589 = tpu.memref_squeeze %dma_start3A_588 : memref<1x125xi32, #tpu.memory_space<vmem>> -> memref<125xi32, #tpu.memory_space<vmem>>
      %dma_start3A_590 = arith.constant 0 : i32
      %dma_start3A_591 = arith.constant 0 : i32
      %dma_start3A_592 = tpu.memref_slice %arg10[%dma_start3A_590, %dma_start3A_591] : memref<10240x64xbf16, #tpu.memory_space<vmem_shared>> -> memref<10240x64xbf16, #tpu.memory_space<vmem_shared>>
      tpu.enqueue_indirect_dma source(%dma_start3A_586 : memref<125x64xbf16, #tpu.memory_space<vmem>>) target(%dma_start3A_592 : memref<10240x64xbf16, #tpu.memory_space<vmem_shared>>) offsets(%dma_start3A_589 : memref<125xi32, #tpu.memory_space<vmem>>) semaphore(%arg25 : memref<!tpu.dma_semaphore, #tpu.memory_space<semaphore_mem>>) {add = true}
      %add3A_593 = arith.constant 7 : i32
      %add3A_594 = arith.addi %mul3A_411, %add3A_593 : i32
      %dma_wait3A_595 = arith.constant 7 : i32
      %dma_wait3A_596 = arith.constant 0 : i32
      %dma_wait3A_597 = arith.constant 0 : i32
      %dma_wait3A_598 = tpu.memref_slice %arg8[%dma_wait3A_595, %dma_wait3A_596, %dma_wait3A_597] : memref<8x125x64xbf16, #tpu.memory_space<vmem>> -> memref<1x125x64xbf16, #tpu.memory_space<vmem>>
      %dma_wait3A_599 = tpu.memref_squeeze %dma_wait3A_598 : memref<1x125x64xbf16, #tpu.memory_space<vmem>> -> memref<125x64xbf16, #tpu.memory_space<vmem>>
      %dma_wait3A_600 = arith.constant 0 : i32
      %dma_wait3A_601 = tpu.memref_slice %arg6[%add3A_594, %dma_wait3A_600] : memref<160x125xi32, #tpu.memory_space<vmem>> -> memref<1x125xi32, #tpu.memory_space<vmem>>
      %dma_wait3A_602 = tpu.memref_squeeze %dma_wait3A_601 : memref<1x125xi32, #tpu.memory_space<vmem>> -> memref<125xi32, #tpu.memory_space<vmem>>
      %dma_wait3A_603 = arith.constant 0 : i32
      %dma_wait3A_604 = arith.constant 0 : i32
      %dma_wait3A_605 = tpu.memref_slice %arg4[%dma_wait3A_603, %dma_wait3A_604] : memref<20000x64xbf16, #tpu.memory_space<hbm>> -> memref<20000x64xbf16, #tpu.memory_space<hbm>>
      tpu.wait_indirect_dma semaphore(%arg18 : memref<!tpu.dma_semaphore, #tpu.memory_space<semaphore_mem>>) src(%dma_wait3A_605 : memref<20000x64xbf16, #tpu.memory_space<hbm>>) dst(%dma_wait3A_599 : memref<125x64xbf16, #tpu.memory_space<vmem>>)
      %add3A_606 = arith.constant 7 : i32
      %add3A_607 = arith.addi %mul3A_411, %add3A_606 : i32
      %dma_start3A_608 = arith.constant 7 : i32
      %dma_start3A_609 = arith.constant 0 : i32
      %dma_start3A_610 = arith.constant 0 : i32
      %dma_start3A_611 = tpu.memref_slice %arg8[%dma_start3A_608, %dma_start3A_609, %dma_start3A_610] : memref<8x125x64xbf16, #tpu.memory_space<vmem>> -> memref<1x125x64xbf16, #tpu.memory_space<vmem>>
      %dma_start3A_612 = tpu.memref_squeeze %dma_start3A_611 : memref<1x125x64xbf16, #tpu.memory_space<vmem>> -> memref<125x64xbf16, #tpu.memory_space<vmem>>
      %dma_start3A_613 = arith.constant 0 : i32
      %dma_start3A_614 = tpu.memref_slice %arg7[%add3A_607, %dma_start3A_613] : memref<160x125xi32, #tpu.memory_space<vmem>> -> memref<1x125xi32, #tpu.memory_space<vmem>>
      %dma_start3A_615 = tpu.memref_squeeze %dma_start3A_614 : memref<1x125xi32, #tpu.memory_space<vmem>> -> memref<125xi32, #tpu.memory_space<vmem>>
      %dma_start3A_616 = arith.constant 0 : i32
      %dma_start3A_617 = arith.constant 0 : i32
      %dma_start3A_618 = tpu.memref_slice %arg10[%dma_start3A_616, %dma_start3A_617] : memref<10240x64xbf16, #tpu.memory_space<vmem_shared>> -> memref<10240x64xbf16, #tpu.memory_space<vmem_shared>>
      tpu.enqueue_indirect_dma source(%dma_start3A_612 : memref<125x64xbf16, #tpu.memory_space<vmem>>) target(%dma_start3A_618 : memref<10240x64xbf16, #tpu.memory_space<vmem_shared>>) offsets(%dma_start3A_615 : memref<125xi32, #tpu.memory_space<vmem>>) semaphore(%arg26 : memref<!tpu.dma_semaphore, #tpu.memory_space<semaphore_mem>>) {add = true}
      %add3A_619 = arith.constant 0 : i32
      %add3A_620 = arith.addi %mul3A_411, %add3A_619 : i32
      %dma_wait3A_621 = arith.constant 0 : i32
      %dma_wait3A_622 = arith.constant 0 : i32
      %dma_wait3A_623 = arith.constant 0 : i32
      %dma_wait3A_624 = tpu.memref_slice %arg8[%dma_wait3A_621, %dma_wait3A_622, %dma_wait3A_623] : memref<8x125x64xbf16, #tpu.memory_space<vmem>> -> memref<1x125x64xbf16, #tpu.memory_space<vmem>>
      %dma_wait3A_625 = tpu.memref_squeeze %dma_wait3A_624 : memref<1x125x64xbf16, #tpu.memory_space<vmem>> -> memref<125x64xbf16, #tpu.memory_space<vmem>>
      %dma_wait3A_626 = arith.constant 0 : i32
      %dma_wait3A_627 = tpu.memref_slice %arg7[%add3A_620, %dma_wait3A_626] : memref<160x125xi32, #tpu.memory_space<vmem>> -> memref<1x125xi32, #tpu.memory_space<vmem>>
      %dma_wait3A_628 = tpu.memref_squeeze %dma_wait3A_627 : memref<1x125xi32, #tpu.memory_space<vmem>> -> memref<125xi32, #tpu.memory_space<vmem>>
      %dma_wait3A_629 = arith.constant 0 : i32
      %dma_wait3A_630 = arith.constant 0 : i32
      %dma_wait3A_631 = tpu.memref_slice %arg10[%dma_wait3A_629, %dma_wait3A_630] : memref<10240x64xbf16, #tpu.memory_space<vmem_shared>> -> memref<10240x64xbf16, #tpu.memory_space<vmem_shared>>
      tpu.wait_indirect_dma semaphore(%arg19 : memref<!tpu.dma_semaphore, #tpu.memory_space<semaphore_mem>>) src(%dma_wait3A_625 : memref<125x64xbf16, #tpu.memory_space<vmem>>) dst(%dma_wait3A_631 : memref<10240x64xbf16, #tpu.memory_space<vmem_shared>>)
      %add3A_632 = arith.constant 8 : i32
      %add3A_633 = arith.addi %mul3A_411, %add3A_632 : i32
      %add3A_634 = arith.constant 0 : i32
      %add3A_635 = arith.addi %add3A_633, %add3A_634 : i32
      %dma_start3A_636 = arith.constant 0 : i32
      %dma_start3A_637 = arith.constant 0 : i32
      %dma_start3A_638 = arith.constant 0 : i32
      %dma_start3A_639 = tpu.memref_slice %arg8[%dma_start3A_636, %dma_start3A_637, %dma_start3A_638] : memref<8x125x64xbf16, #tpu.memory_space<vmem>> -> memref<1x125x64xbf16, #tpu.memory_space<vmem>>
      %dma_start3A_640 = tpu.memref_squeeze %dma_start3A_639 : memref<1x125x64xbf16, #tpu.memory_space<vmem>> -> memref<125x64xbf16, #tpu.memory_space<vmem>>
      %dma_start3A_641 = arith.constant 0 : i32
      %dma_start3A_642 = tpu.memref_slice %arg6[%add3A_635, %dma_start3A_641] : memref<160x125xi32, #tpu.memory_space<vmem>> -> memref<1x125xi32, #tpu.memory_space<vmem>>
      %dma_start3A_643 = tpu.memref_squeeze %dma_start3A_642 : memref<1x125xi32, #tpu.memory_space<vmem>> -> memref<125xi32, #tpu.memory_space<vmem>>
      %dma_start3A_644 = arith.constant 0 : i32
      %dma_start3A_645 = arith.constant 0 : i32
      %dma_start3A_646 = tpu.memref_slice %arg4[%dma_start3A_644, %dma_start3A_645] : memref<20000x64xbf16, #tpu.memory_space<hbm>> -> memref<20000x64xbf16, #tpu.memory_space<hbm>>
      tpu.enqueue_indirect_dma source(%dma_start3A_646 : memref<20000x64xbf16, #tpu.memory_space<hbm>>) target(%dma_start3A_640 : memref<125x64xbf16, #tpu.memory_space<vmem>>) offsets(%dma_start3A_643 : memref<125xi32, #tpu.memory_space<vmem>>) semaphore(%arg11 : memref<!tpu.dma_semaphore, #tpu.memory_space<semaphore_mem>>)
      %add3A_647 = arith.constant 1 : i32
      %add3A_648 = arith.addi %mul3A_411, %add3A_647 : i32
      %dma_wait3A_649 = arith.constant 1 : i32
      %dma_wait3A_650 = arith.constant 0 : i32
      %dma_wait3A_651 = arith.constant 0 : i32
      %dma_wait3A_652 = tpu.memref_slice %arg8[%dma_wait3A_649, %dma_wait3A_650, %dma_wait3A_651] : memref<8x125x64xbf16, #tpu.memory_space<vmem>> -> memref<1x125x64xbf16, #tpu.memory_space<vmem>>
      %dma_wait3A_653 = tpu.memref_squeeze %dma_wait3A_652 : memref<1x125x64xbf16, #tpu.memory_space<vmem>> -> memref<125x64xbf16, #tpu.memory_space<vmem>>
      %dma_wait3A_654 = arith.constant 0 : i32
      %dma_wait3A_655 = tpu.memref_slice %arg7[%add3A_648, %dma_wait3A_654] : memref<160x125xi32, #tpu.memory_space<vmem>> -> memref<1x125xi32, #tpu.memory_space<vmem>>
      %dma_wait3A_656 = tpu.memref_squeeze %dma_wait3A_655 : memref<1x125xi32, #tpu.memory_space<vmem>> -> memref<125xi32, #tpu.memory_space<vmem>>
      %dma_wait3A_657 = arith.constant 0 : i32
      %dma_wait3A_658 = arith.constant 0 : i32
      %dma_wait3A_659 = tpu.memref_slice %arg10[%dma_wait3A_657, %dma_wait3A_658] : memref<10240x64xbf16, #tpu.memory_space<vmem_shared>> -> memref<10240x64xbf16, #tpu.memory_space<vmem_shared>>
      tpu.wait_indirect_dma semaphore(%arg20 : memref<!tpu.dma_semaphore, #tpu.memory_space<semaphore_mem>>) src(%dma_wait3A_653 : memref<125x64xbf16, #tpu.memory_space<vmem>>) dst(%dma_wait3A_659 : memref<10240x64xbf16, #tpu.memory_space<vmem_shared>>)
      %add3A_660 = arith.constant 8 : i32
      %add3A_661 = arith.addi %mul3A_411, %add3A_660 : i32
      %add3A_662 = arith.constant 1 : i32
      %add3A_663 = arith.addi %add3A_661, %add3A_662 : i32
      %dma_start3A_664 = arith.constant 1 : i32
      %dma_start3A_665 = arith.constant 0 : i32
      %dma_start3A_666 = arith.constant 0 : i32
      %dma_start3A_667 = tpu.memref_slice %arg8[%dma_start3A_664, %dma_start3A_665, %dma_start3A_666] : memref<8x125x64xbf16, #tpu.memory_space<vmem>> -> memref<1x125x64xbf16, #tpu.memory_space<vmem>>
      %dma_start3A_668 = tpu.memref_squeeze %dma_start3A_667 : memref<1x125x64xbf16, #tpu.memory_space<vmem>> -> memref<125x64xbf16, #tpu.memory_space<vmem>>
      %dma_start3A_669 = arith.constant 0 : i32
      %dma_start3A_670 = tpu.memref_slice %arg6[%add3A_663, %dma_start3A_669] : memref<160x125xi32, #tpu.memory_space<vmem>> -> memref<1x125xi32, #tpu.memory_space<vmem>>
      %dma_start3A_671 = tpu.memref_squeeze %dma_start3A_670 : memref<1x125xi32, #tpu.memory_space<vmem>> -> memref<125xi32, #tpu.memory_space<vmem>>
      %dma_start3A_672 = arith.constant 0 : i32
      %dma_start3A_673 = arith.constant 0 : i32
      %dma_start3A_674 = tpu.memref_slice %arg4[%dma_start3A_672, %dma_start3A_673] : memref<20000x64xbf16, #tpu.memory_space<hbm>> -> memref<20000x64xbf16, #tpu.memory_space<hbm>>
      tpu.enqueue_indirect_dma source(%dma_start3A_674 : memref<20000x64xbf16, #tpu.memory_space<hbm>>) target(%dma_start3A_668 : memref<125x64xbf16, #tpu.memory_space<vmem>>) offsets(%dma_start3A_671 : memref<125xi32, #tpu.memory_space<vmem>>) semaphore(%arg12 : memref<!tpu.dma_semaphore, #tpu.memory_space<semaphore_mem>>)
      %add3A_675 = arith.constant 2 : i32
      %add3A_676 = arith.addi %mul3A_411, %add3A_675 : i32
      %dma_wait3A_677 = arith.constant 2 : i32
      %dma_wait3A_678 = arith.constant 0 : i32
      %dma_wait3A_679 = arith.constant 0 : i32
      %dma_wait3A_680 = tpu.memref_slice %arg8[%dma_wait3A_677, %dma_wait3A_678, %dma_wait3A_679] : memref<8x125x64xbf16, #tpu.memory_space<vmem>> -> memref<1x125x64xbf16, #tpu.memory_space<vmem>>
      %dma_wait3A_681 = tpu.memref_squeeze %dma_wait3A_680 : memref<1x125x64xbf16, #tpu.memory_space<vmem>> -> memref<125x64xbf16, #tpu.memory_space<vmem>>
      %dma_wait3A_682 = arith.constant 0 : i32
      %dma_wait3A_683 = tpu.memref_slice %arg7[%add3A_676, %dma_wait3A_682] : memref<160x125xi32, #tpu.memory_space<vmem>> -> memref<1x125xi32, #tpu.memory_space<vmem>>
      %dma_wait3A_684 = tpu.memref_squeeze %dma_wait3A_683 : memref<1x125xi32, #tpu.memory_space<vmem>> -> memref<125xi32, #tpu.memory_space<vmem>>
      %dma_wait3A_685 = arith.constant 0 : i32
      %dma_wait3A_686 = arith.constant 0 : i32
      %dma_wait3A_687 = tpu.memref_slice %arg10[%dma_wait3A_685, %dma_wait3A_686] : memref<10240x64xbf16, #tpu.memory_space<vmem_shared>> -> memref<10240x64xbf16, #tpu.memory_space<vmem_shared>>
      tpu.wait_indirect_dma semaphore(%arg21 : memref<!tpu.dma_semaphore, #tpu.memory_space<semaphore_mem>>) src(%dma_wait3A_681 : memref<125x64xbf16, #tpu.memory_space<vmem>>) dst(%dma_wait3A_687 : memref<10240x64xbf16, #tpu.memory_space<vmem_shared>>)
      %add3A_688 = arith.constant 8 : i32
      %add3A_689 = arith.addi %mul3A_411, %add3A_688 : i32
      %add3A_690 = arith.constant 2 : i32
      %add3A_691 = arith.addi %add3A_689, %add3A_690 : i32
      %dma_start3A_692 = arith.constant 2 : i32
      %dma_start3A_693 = arith.constant 0 : i32
      %dma_start3A_694 = arith.constant 0 : i32
      %dma_start3A_695 = tpu.memref_slice %arg8[%dma_start3A_692, %dma_start3A_693, %dma_start3A_694] : memref<8x125x64xbf16, #tpu.memory_space<vmem>> -> memref<1x125x64xbf16, #tpu.memory_space<vmem>>
      %dma_start3A_696 = tpu.memref_squeeze %dma_start3A_695 : memref<1x125x64xbf16, #tpu.memory_space<vmem>> -> memref<125x64xbf16, #tpu.memory_space<vmem>>
      %dma_start3A_697 = arith.constant 0 : i32
      %dma_start3A_698 = tpu.memref_slice %arg6[%add3A_691, %dma_start3A_697] : memref<160x125xi32, #tpu.memory_space<vmem>> -> memref<1x125xi32, #tpu.memory_space<vmem>>
      %dma_start3A_699 = tpu.memref_squeeze %dma_start3A_698 : memref<1x125xi32, #tpu.memory_space<vmem>> -> memref<125xi32, #tpu.memory_space<vmem>>
      %dma_start3A_700 = arith.constant 0 : i32
      %dma_start3A_701 = arith.constant 0 : i32
      %dma_start3A_702 = tpu.memref_slice %arg4[%dma_start3A_700, %dma_start3A_701] : memref<20000x64xbf16, #tpu.memory_space<hbm>> -> memref<20000x64xbf16, #tpu.memory_space<hbm>>
      tpu.enqueue_indirect_dma source(%dma_start3A_702 : memref<20000x64xbf16, #tpu.memory_space<hbm>>) target(%dma_start3A_696 : memref<125x64xbf16, #tpu.memory_space<vmem>>) offsets(%dma_start3A_699 : memref<125xi32, #tpu.memory_space<vmem>>) semaphore(%arg13 : memref<!tpu.dma_semaphore, #tpu.memory_space<semaphore_mem>>)
      %add3A_703 = arith.constant 3 : i32
      %add3A_704 = arith.addi %mul3A_411, %add3A_703 : i32
      %dma_wait3A_705 = arith.constant 3 : i32
      %dma_wait3A_706 = arith.constant 0 : i32
      %dma_wait3A_707 = arith.constant 0 : i32
      %dma_wait3A_708 = tpu.memref_slice %arg8[%dma_wait3A_705, %dma_wait3A_706, %dma_wait3A_707] : memref<8x125x64xbf16, #tpu.memory_space<vmem>> -> memref<1x125x64xbf16, #tpu.memory_space<vmem>>
      %dma_wait3A_709 = tpu.memref_squeeze %dma_wait3A_708 : memref<1x125x64xbf16, #tpu.memory_space<vmem>> -> memref<125x64xbf16, #tpu.memory_space<vmem>>
      %dma_wait3A_710 = arith.constant 0 : i32
      %dma_wait3A_711 = tpu.memref_slice %arg7[%add3A_704, %dma_wait3A_710] : memref<160x125xi32, #tpu.memory_space<vmem>> -> memref<1x125xi32, #tpu.memory_space<vmem>>
      %dma_wait3A_712 = tpu.memref_squeeze %dma_wait3A_711 : memref<1x125xi32, #tpu.memory_space<vmem>> -> memref<125xi32, #tpu.memory_space<vmem>>
      %dma_wait3A_713 = arith.constant 0 : i32
      %dma_wait3A_714 = arith.constant 0 : i32
      %dma_wait3A_715 = tpu.memref_slice %arg10[%dma_wait3A_713, %dma_wait3A_714] : memref<10240x64xbf16, #tpu.memory_space<vmem_shared>> -> memref<10240x64xbf16, #tpu.memory_space<vmem_shared>>
      tpu.wait_indirect_dma semaphore(%arg22 : memref<!tpu.dma_semaphore, #tpu.memory_space<semaphore_mem>>) src(%dma_wait3A_709 : memref<125x64xbf16, #tpu.memory_space<vmem>>) dst(%dma_wait3A_715 : memref<10240x64xbf16, #tpu.memory_space<vmem_shared>>)
      %add3A_716 = arith.constant 8 : i32
      %add3A_717 = arith.addi %mul3A_411, %add3A_716 : i32
      %add3A_718 = arith.constant 3 : i32
      %add3A_719 = arith.addi %add3A_717, %add3A_718 : i32
      %dma_start3A_720 = arith.constant 3 : i32
      %dma_start3A_721 = arith.constant 0 : i32
      %dma_start3A_722 = arith.constant 0 : i32
      %dma_start3A_723 = tpu.memref_slice %arg8[%dma_start3A_720, %dma_start3A_721, %dma_start3A_722] : memref<8x125x64xbf16, #tpu.memory_space<vmem>> -> memref<1x125x64xbf16, #tpu.memory_space<vmem>>
      %dma_start3A_724 = tpu.memref_squeeze %dma_start3A_723 : memref<1x125x64xbf16, #tpu.memory_space<vmem>> -> memref<125x64xbf16, #tpu.memory_space<vmem>>
      %dma_start3A_725 = arith.constant 0 : i32
      %dma_start3A_726 = tpu.memref_slice %arg6[%add3A_719, %dma_start3A_725] : memref<160x125xi32, #tpu.memory_space<vmem>> -> memref<1x125xi32, #tpu.memory_space<vmem>>
      %dma_start3A_727 = tpu.memref_squeeze %dma_start3A_726 : memref<1x125xi32, #tpu.memory_space<vmem>> -> memref<125xi32, #tpu.memory_space<vmem>>
      %dma_start3A_728 = arith.constant 0 : i32
      %dma_start3A_729 = arith.constant 0 : i32
      %dma_start3A_730 = tpu.memref_slice %arg4[%dma_start3A_728, %dma_start3A_729] : memref<20000x64xbf16, #tpu.memory_space<hbm>> -> memref<20000x64xbf16, #tpu.memory_space<hbm>>
      tpu.enqueue_indirect_dma source(%dma_start3A_730 : memref<20000x64xbf16, #tpu.memory_space<hbm>>) target(%dma_start3A_724 : memref<125x64xbf16, #tpu.memory_space<vmem>>) offsets(%dma_start3A_727 : memref<125xi32, #tpu.memory_space<vmem>>) semaphore(%arg14 : memref<!tpu.dma_semaphore, #tpu.memory_space<semaphore_mem>>)
      %add3A_731 = arith.constant 4 : i32
      %add3A_732 = arith.addi %mul3A_411, %add3A_731 : i32
      %dma_wait3A_733 = arith.constant 4 : i32
      %dma_wait3A_734 = arith.constant 0 : i32
      %dma_wait3A_735 = arith.constant 0 : i32
      %dma_wait3A_736 = tpu.memref_slice %arg8[%dma_wait3A_733, %dma_wait3A_734, %dma_wait3A_735] : memref<8x125x64xbf16, #tpu.memory_space<vmem>> -> memref<1x125x64xbf16, #tpu.memory_space<vmem>>
      %dma_wait3A_737 = tpu.memref_squeeze %dma_wait3A_736 : memref<1x125x64xbf16, #tpu.memory_space<vmem>> -> memref<125x64xbf16, #tpu.memory_space<vmem>>
      %dma_wait3A_738 = arith.constant 0 : i32
      %dma_wait3A_739 = tpu.memref_slice %arg7[%add3A_732, %dma_wait3A_738] : memref<160x125xi32, #tpu.memory_space<vmem>> -> memref<1x125xi32, #tpu.memory_space<vmem>>
      %dma_wait3A_740 = tpu.memref_squeeze %dma_wait3A_739 : memref<1x125xi32, #tpu.memory_space<vmem>> -> memref<125xi32, #tpu.memory_space<vmem>>
      %dma_wait3A_741 = arith.constant 0 : i32
      %dma_wait3A_742 = arith.constant 0 : i32
      %dma_wait3A_743 = tpu.memref_slice %arg10[%dma_wait3A_741, %dma_wait3A_742] : memref<10240x64xbf16, #tpu.memory_space<vmem_shared>> -> memref<10240x64xbf16, #tpu.memory_space<vmem_shared>>
      tpu.wait_indirect_dma semaphore(%arg23 : memref<!tpu.dma_semaphore, #tpu.memory_space<semaphore_mem>>) src(%dma_wait3A_737 : memref<125x64xbf16, #tpu.memory_space<vmem>>) dst(%dma_wait3A_743 : memref<10240x64xbf16, #tpu.memory_space<vmem_shared>>)
      %add3A_744 = arith.constant 8 : i32
      %add3A_745 = arith.addi %mul3A_411, %add3A_744 : i32
      %add3A_746 = arith.constant 4 : i32
      %add3A_747 = arith.addi %add3A_745, %add3A_746 : i32
      %dma_start3A_748 = arith.constant 4 : i32
      %dma_start3A_749 = arith.constant 0 : i32
      %dma_start3A_750 = arith.constant 0 : i32
      %dma_start3A_751 = tpu.memref_slice %arg8[%dma_start3A_748, %dma_start3A_749, %dma_start3A_750] : memref<8x125x64xbf16, #tpu.memory_space<vmem>> -> memref<1x125x64xbf16, #tpu.memory_space<vmem>>
      %dma_start3A_752 = tpu.memref_squeeze %dma_start3A_751 : memref<1x125x64xbf16, #tpu.memory_space<vmem>> -> memref<125x64xbf16, #tpu.memory_space<vmem>>
      %dma_start3A_753 = arith.constant 0 : i32
      %dma_start3A_754 = tpu.memref_slice %arg6[%add3A_747, %dma_start3A_753] : memref<160x125xi32, #tpu.memory_space<vmem>> -> memref<1x125xi32, #tpu.memory_space<vmem>>
      %dma_start3A_755 = tpu.memref_squeeze %dma_start3A_754 : memref<1x125xi32, #tpu.memory_space<vmem>> -> memref<125xi32, #tpu.memory_space<vmem>>
      %dma_start3A_756 = arith.constant 0 : i32
      %dma_start3A_757 = arith.constant 0 : i32
      %dma_start3A_758 = tpu.memref_slice %arg4[%dma_start3A_756, %dma_start3A_757] : memref<20000x64xbf16, #tpu.memory_space<hbm>> -> memref<20000x64xbf16, #tpu.memory_space<hbm>>
      tpu.enqueue_indirect_dma source(%dma_start3A_758 : memref<20000x64xbf16, #tpu.memory_space<hbm>>) target(%dma_start3A_752 : memref<125x64xbf16, #tpu.memory_space<vmem>>) offsets(%dma_start3A_755 : memref<125xi32, #tpu.memory_space<vmem>>) semaphore(%arg15 : memref<!tpu.dma_semaphore, #tpu.memory_space<semaphore_mem>>)
      %add3A_759 = arith.constant 5 : i32
      %add3A_760 = arith.addi %mul3A_411, %add3A_759 : i32
      %dma_wait3A_761 = arith.constant 5 : i32
      %dma_wait3A_762 = arith.constant 0 : i32
      %dma_wait3A_763 = arith.constant 0 : i32
      %dma_wait3A_764 = tpu.memref_slice %arg8[%dma_wait3A_761, %dma_wait3A_762, %dma_wait3A_763] : memref<8x125x64xbf16, #tpu.memory_space<vmem>> -> memref<1x125x64xbf16, #tpu.memory_space<vmem>>
      %dma_wait3A_765 = tpu.memref_squeeze %dma_wait3A_764 : memref<1x125x64xbf16, #tpu.memory_space<vmem>> -> memref<125x64xbf16, #tpu.memory_space<vmem>>
      %dma_wait3A_766 = arith.constant 0 : i32
      %dma_wait3A_767 = tpu.memref_slice %arg7[%add3A_760, %dma_wait3A_766] : memref<160x125xi32, #tpu.memory_space<vmem>> -> memref<1x125xi32, #tpu.memory_space<vmem>>
      %dma_wait3A_768 = tpu.memref_squeeze %dma_wait3A_767 : memref<1x125xi32, #tpu.memory_space<vmem>> -> memref<125xi32, #tpu.memory_space<vmem>>
      %dma_wait3A_769 = arith.constant 0 : i32
      %dma_wait3A_770 = arith.constant 0 : i32
      %dma_wait3A_771 = tpu.memref_slice %arg10[%dma_wait3A_769, %dma_wait3A_770] : memref<10240x64xbf16, #tpu.memory_space<vmem_shared>> -> memref<10240x64xbf16, #tpu.memory_space<vmem_shared>>
      tpu.wait_indirect_dma semaphore(%arg24 : memref<!tpu.dma_semaphore, #tpu.memory_space<semaphore_mem>>) src(%dma_wait3A_765 : memref<125x64xbf16, #tpu.memory_space<vmem>>) dst(%dma_wait3A_771 : memref<10240x64xbf16, #tpu.memory_space<vmem_shared>>)
      %add3A_772 = arith.constant 8 : i32
      %add3A_773 = arith.addi %mul3A_411, %add3A_772 : i32
      %add3A_774 = arith.constant 5 : i32
      %add3A_775 = arith.addi %add3A_773, %add3A_774 : i32
      %dma_start3A_776 = arith.constant 5 : i32
      %dma_start3A_777 = arith.constant 0 : i32
      %dma_start3A_778 = arith.constant 0 : i32
      %dma_start3A_779 = tpu.memref_slice %arg8[%dma_start3A_776, %dma_start3A_777, %dma_start3A_778] : memref<8x125x64xbf16, #tpu.memory_space<vmem>> -> memref<1x125x64xbf16, #tpu.memory_space<vmem>>
      %dma_start3A_780 = tpu.memref_squeeze %dma_start3A_779 : memref<1x125x64xbf16, #tpu.memory_space<vmem>> -> memref<125x64xbf16, #tpu.memory_space<vmem>>
      %dma_start3A_781 = arith.constant 0 : i32
      %dma_start3A_782 = tpu.memref_slice %arg6[%add3A_775, %dma_start3A_781] : memref<160x125xi32, #tpu.memory_space<vmem>> -> memref<1x125xi32, #tpu.memory_space<vmem>>
      %dma_start3A_783 = tpu.memref_squeeze %dma_start3A_782 : memref<1x125xi32, #tpu.memory_space<vmem>> -> memref<125xi32, #tpu.memory_space<vmem>>
      %dma_start3A_784 = arith.constant 0 : i32
      %dma_start3A_785 = arith.constant 0 : i32
      %dma_start3A_786 = tpu.memref_slice %arg4[%dma_start3A_784, %dma_start3A_785] : memref<20000x64xbf16, #tpu.memory_space<hbm>> -> memref<20000x64xbf16, #tpu.memory_space<hbm>>
      tpu.enqueue_indirect_dma source(%dma_start3A_786 : memref<20000x64xbf16, #tpu.memory_space<hbm>>) target(%dma_start3A_780 : memref<125x64xbf16, #tpu.memory_space<vmem>>) offsets(%dma_start3A_783 : memref<125xi32, #tpu.memory_space<vmem>>) semaphore(%arg16 : memref<!tpu.dma_semaphore, #tpu.memory_space<semaphore_mem>>)
      %add3A_787 = arith.constant 6 : i32
      %add3A_788 = arith.addi %mul3A_411, %add3A_787 : i32
      %dma_wait3A_789 = arith.constant 6 : i32
      %dma_wait3A_790 = arith.constant 0 : i32
      %dma_wait3A_791 = arith.constant 0 : i32
      %dma_wait3A_792 = tpu.memref_slice %arg8[%dma_wait3A_789, %dma_wait3A_790, %dma_wait3A_791] : memref<8x125x64xbf16, #tpu.memory_space<vmem>> -> memref<1x125x64xbf16, #tpu.memory_space<vmem>>
      %dma_wait3A_793 = tpu.memref_squeeze %dma_wait3A_792 : memref<1x125x64xbf16, #tpu.memory_space<vmem>> -> memref<125x64xbf16, #tpu.memory_space<vmem>>
      %dma_wait3A_794 = arith.constant 0 : i32
      %dma_wait3A_795 = tpu.memref_slice %arg7[%add3A_788, %dma_wait3A_794] : memref<160x125xi32, #tpu.memory_space<vmem>> -> memref<1x125xi32, #tpu.memory_space<vmem>>
      %dma_wait3A_796 = tpu.memref_squeeze %dma_wait3A_795 : memref<1x125xi32, #tpu.memory_space<vmem>> -> memref<125xi32, #tpu.memory_space<vmem>>
      %dma_wait3A_797 = arith.constant 0 : i32
      %dma_wait3A_798 = arith.constant 0 : i32
      %dma_wait3A_799 = tpu.memref_slice %arg10[%dma_wait3A_797, %dma_wait3A_798] : memref<10240x64xbf16, #tpu.memory_space<vmem_shared>> -> memref<10240x64xbf16, #tpu.memory_space<vmem_shared>>
      tpu.wait_indirect_dma semaphore(%arg25 : memref<!tpu.dma_semaphore, #tpu.memory_space<semaphore_mem>>) src(%dma_wait3A_793 : memref<125x64xbf16, #tpu.memory_space<vmem>>) dst(%dma_wait3A_799 : memref<10240x64xbf16, #tpu.memory_space<vmem_shared>>)
      %add3A_800 = arith.constant 8 : i32
      %add3A_801 = arith.addi %mul3A_411, %add3A_800 : i32
      %add3A_802 = arith.constant 6 : i32
      %add3A_803 = arith.addi %add3A_801, %add3A_802 : i32
      %dma_start3A_804 = arith.constant 6 : i32
      %dma_start3A_805 = arith.constant 0 : i32
      %dma_start3A_806 = arith.constant 0 : i32
      %dma_start3A_807 = tpu.memref_slice %arg8[%dma_start3A_804, %dma_start3A_805, %dma_start3A_806] : memref<8x125x64xbf16, #tpu.memory_space<vmem>> -> memref<1x125x64xbf16, #tpu.memory_space<vmem>>
      %dma_start3A_808 = tpu.memref_squeeze %dma_start3A_807 : memref<1x125x64xbf16, #tpu.memory_space<vmem>> -> memref<125x64xbf16, #tpu.memory_space<vmem>>
      %dma_start3A_809 = arith.constant 0 : i32
      %dma_start3A_810 = tpu.memref_slice %arg6[%add3A_803, %dma_start3A_809] : memref<160x125xi32, #tpu.memory_space<vmem>> -> memref<1x125xi32, #tpu.memory_space<vmem>>
      %dma_start3A_811 = tpu.memref_squeeze %dma_start3A_810 : memref<1x125xi32, #tpu.memory_space<vmem>> -> memref<125xi32, #tpu.memory_space<vmem>>
      %dma_start3A_812 = arith.constant 0 : i32
      %dma_start3A_813 = arith.constant 0 : i32
      %dma_start3A_814 = tpu.memref_slice %arg4[%dma_start3A_812, %dma_start3A_813] : memref<20000x64xbf16, #tpu.memory_space<hbm>> -> memref<20000x64xbf16, #tpu.memory_space<hbm>>
      tpu.enqueue_indirect_dma source(%dma_start3A_814 : memref<20000x64xbf16, #tpu.memory_space<hbm>>) target(%dma_start3A_808 : memref<125x64xbf16, #tpu.memory_space<vmem>>) offsets(%dma_start3A_811 : memref<125xi32, #tpu.memory_space<vmem>>) semaphore(%arg17 : memref<!tpu.dma_semaphore, #tpu.memory_space<semaphore_mem>>)
      %add3A_815 = arith.constant 7 : i32
      %add3A_816 = arith.addi %mul3A_411, %add3A_815 : i32
      %dma_wait3A_817 = arith.constant 7 : i32
      %dma_wait3A_818 = arith.constant 0 : i32
      %dma_wait3A_819 = arith.constant 0 : i32
      %dma_wait3A_820 = tpu.memref_slice %arg8[%dma_wait3A_817, %dma_wait3A_818, %dma_wait3A_819] : memref<8x125x64xbf16, #tpu.memory_space<vmem>> -> memref<1x125x64xbf16, #tpu.memory_space<vmem>>
      %dma_wait3A_821 = tpu.memref_squeeze %dma_wait3A_820 : memref<1x125x64xbf16, #tpu.memory_space<vmem>> -> memref<125x64xbf16, #tpu.memory_space<vmem>>
      %dma_wait3A_822 = arith.constant 0 : i32
      %dma_wait3A_823 = tpu.memref_slice %arg7[%add3A_816, %dma_wait3A_822] : memref<160x125xi32, #tpu.memory_space<vmem>> -> memref<1x125xi32, #tpu.memory_space<vmem>>
      %dma_wait3A_824 = tpu.memref_squeeze %dma_wait3A_823 : memref<1x125xi32, #tpu.memory_space<vmem>> -> memref<125xi32, #tpu.memory_space<vmem>>
      %dma_wait3A_825 = arith.constant 0 : i32
      %dma_wait3A_826 = arith.constant 0 : i32
      %dma_wait3A_827 = tpu.memref_slice %arg10[%dma_wait3A_825, %dma_wait3A_826] : memref<10240x64xbf16, #tpu.memory_space<vmem_shared>> -> memref<10240x64xbf16, #tpu.memory_space<vmem_shared>>
      tpu.wait_indirect_dma semaphore(%arg26 : memref<!tpu.dma_semaphore, #tpu.memory_space<semaphore_mem>>) src(%dma_wait3A_821 : memref<125x64xbf16, #tpu.memory_space<vmem>>) dst(%dma_wait3A_827 : memref<10240x64xbf16, #tpu.memory_space<vmem_shared>>)
      %add3A_828 = arith.constant 8 : i32
      %add3A_829 = arith.addi %mul3A_411, %add3A_828 : i32
      %add3A_830 = arith.constant 7 : i32
      %add3A_831 = arith.addi %add3A_829, %add3A_830 : i32
      %dma_start3A_832 = arith.constant 7 : i32
      %dma_start3A_833 = arith.constant 0 : i32
      %dma_start3A_834 = arith.constant 0 : i32
      %dma_start3A_835 = tpu.memref_slice %arg8[%dma_start3A_832, %dma_start3A_833, %dma_start3A_834] : memref<8x125x64xbf16, #tpu.memory_space<vmem>> -> memref<1x125x64xbf16, #tpu.memory_space<vmem>>
      %dma_start3A_836 = tpu.memref_squeeze %dma_start3A_835 : memref<1x125x64xbf16, #tpu.memory_space<vmem>> -> memref<125x64xbf16, #tpu.memory_space<vmem>>
      %dma_start3A_837 = arith.constant 0 : i32
      %dma_start3A_838 = tpu.memref_slice %arg6[%add3A_831, %dma_start3A_837] : memref<160x125xi32, #tpu.memory_space<vmem>> -> memref<1x125xi32, #tpu.memory_space<vmem>>
      %dma_start3A_839 = tpu.memref_squeeze %dma_start3A_838 : memref<1x125xi32, #tpu.memory_space<vmem>> -> memref<125xi32, #tpu.memory_space<vmem>>
      %dma_start3A_840 = arith.constant 0 : i32
      %dma_start3A_841 = arith.constant 0 : i32
      %dma_start3A_842 = tpu.memref_slice %arg4[%dma_start3A_840, %dma_start3A_841] : memref<20000x64xbf16, #tpu.memory_space<hbm>> -> memref<20000x64xbf16, #tpu.memory_space<hbm>>
      tpu.enqueue_indirect_dma source(%dma_start3A_842 : memref<20000x64xbf16, #tpu.memory_space<hbm>>) target(%dma_start3A_836 : memref<125x64xbf16, #tpu.memory_space<vmem>>) offsets(%dma_start3A_839 : memref<125xi32, #tpu.memory_space<vmem>>) semaphore(%arg18 : memref<!tpu.dma_semaphore, #tpu.memory_space<semaphore_mem>>)
      %scan3A_843 = arith.constant 0 : i32
      scf.yield %scan3A_843 : i32
    }
    %scan3A_114 = arith.constant 19 : i32
    %dma_wait3A = arith.constant 152 : i32
    %dma_wait3A_115 = arith.constant 0 : i32
    %dma_wait3A_116 = arith.constant 0 : i32
    %dma_wait3A_117 = arith.constant 0 : i32
    %dma_wait3A_118 = tpu.memref_slice %arg8[%dma_wait3A_115, %dma_wait3A_116, %dma_wait3A_117] : memref<8x125x64xbf16, #tpu.memory_space<vmem>> -> memref<1x125x64xbf16, #tpu.memory_space<vmem>>
    %dma_wait3A_119 = tpu.memref_squeeze %dma_wait3A_118 : memref<1x125x64xbf16, #tpu.memory_space<vmem>> -> memref<125x64xbf16, #tpu.memory_space<vmem>>
    %dma_wait3A_120 = arith.constant 0 : i32
    %dma_wait3A_121 = tpu.memref_slice %arg6[%dma_wait3A, %dma_wait3A_120] : memref<160x125xi32, #tpu.memory_space<vmem>> -> memref<1x125xi32, #tpu.memory_space<vmem>>
    %dma_wait3A_122 = tpu.memref_squeeze %dma_wait3A_121 : memref<1x125xi32, #tpu.memory_space<vmem>> -> memref<125xi32, #tpu.memory_space<vmem>>
    %dma_wait3A_123 = arith.constant 0 : i32
    %dma_wait3A_124 = arith.constant 0 : i32
    %dma_wait3A_125 = tpu.memref_slice %arg4[%dma_wait3A_123, %dma_wait3A_124] : memref<20000x64xbf16, #tpu.memory_space<hbm>> -> memref<20000x64xbf16, #tpu.memory_space<hbm>>
    tpu.wait_indirect_dma semaphore(%arg11 : memref<!tpu.dma_semaphore, #tpu.memory_space<semaphore_mem>>) src(%dma_wait3A_125 : memref<20000x64xbf16, #tpu.memory_space<hbm>>) dst(%dma_wait3A_119 : memref<125x64xbf16, #tpu.memory_space<vmem>>)
    %dma_start3A_126 = arith.constant 0 : i32
    %dma_start3A_127 = arith.constant 152 : i32
    %dma_start3A_128 = arith.constant 0 : i32
    %dma_start3A_129 = arith.constant 0 : i32
    %dma_start3A_130 = tpu.memref_slice %arg8[%dma_start3A_126, %dma_start3A_128, %dma_start3A_129] : memref<8x125x64xbf16, #tpu.memory_space<vmem>> -> memref<1x125x64xbf16, #tpu.memory_space<vmem>>
    %dma_start3A_131 = tpu.memref_squeeze %dma_start3A_130 : memref<1x125x64xbf16, #tpu.memory_space<vmem>> -> memref<125x64xbf16, #tpu.memory_space<vmem>>
    %dma_start3A_132 = arith.constant 0 : i32
    %dma_start3A_133 = tpu.memref_slice %arg7[%dma_start3A_127, %dma_start3A_132] : memref<160x125xi32, #tpu.memory_space<vmem>> -> memref<1x125xi32, #tpu.memory_space<vmem>>
    %dma_start3A_134 = tpu.memref_squeeze %dma_start3A_133 : memref<1x125xi32, #tpu.memory_space<vmem>> -> memref<125xi32, #tpu.memory_space<vmem>>
    %dma_start3A_135 = arith.constant 0 : i32
    %dma_start3A_136 = arith.constant 0 : i32
    %dma_start3A_137 = tpu.memref_slice %arg10[%dma_start3A_135, %dma_start3A_136] : memref<10240x64xbf16, #tpu.memory_space<vmem_shared>> -> memref<10240x64xbf16, #tpu.memory_space<vmem_shared>>
    tpu.enqueue_indirect_dma source(%dma_start3A_131 : memref<125x64xbf16, #tpu.memory_space<vmem>>) target(%dma_start3A_137 : memref<10240x64xbf16, #tpu.memory_space<vmem_shared>>) offsets(%dma_start3A_134 : memref<125xi32, #tpu.memory_space<vmem>>) semaphore(%arg19 : memref<!tpu.dma_semaphore, #tpu.memory_space<semaphore_mem>>) {add = true}
    %dma_wait3A_138 = arith.constant 153 : i32
    %dma_wait3A_139 = arith.constant 1 : i32
    %dma_wait3A_140 = arith.constant 0 : i32
    %dma_wait3A_141 = arith.constant 0 : i32
    %dma_wait3A_142 = tpu.memref_slice %arg8[%dma_wait3A_139, %dma_wait3A_140, %dma_wait3A_141] : memref<8x125x64xbf16, #tpu.memory_space<vmem>> -> memref<1x125x64xbf16, #tpu.memory_space<vmem>>
    %dma_wait3A_143 = tpu.memref_squeeze %dma_wait3A_142 : memref<1x125x64xbf16, #tpu.memory_space<vmem>> -> memref<125x64xbf16, #tpu.memory_space<vmem>>
    %dma_wait3A_144 = arith.constant 0 : i32
    %dma_wait3A_145 = tpu.memref_slice %arg6[%dma_wait3A_138, %dma_wait3A_144] : memref<160x125xi32, #tpu.memory_space<vmem>> -> memref<1x125xi32, #tpu.memory_space<vmem>>
    %dma_wait3A_146 = tpu.memref_squeeze %dma_wait3A_145 : memref<1x125xi32, #tpu.memory_space<vmem>> -> memref<125xi32, #tpu.memory_space<vmem>>
    %dma_wait3A_147 = arith.constant 0 : i32
    %dma_wait3A_148 = arith.constant 0 : i32
    %dma_wait3A_149 = tpu.memref_slice %arg4[%dma_wait3A_147, %dma_wait3A_148] : memref<20000x64xbf16, #tpu.memory_space<hbm>> -> memref<20000x64xbf16, #tpu.memory_space<hbm>>
    tpu.wait_indirect_dma semaphore(%arg12 : memref<!tpu.dma_semaphore, #tpu.memory_space<semaphore_mem>>) src(%dma_wait3A_149 : memref<20000x64xbf16, #tpu.memory_space<hbm>>) dst(%dma_wait3A_143 : memref<125x64xbf16, #tpu.memory_space<vmem>>)
    %dma_start3A_150 = arith.constant 1 : i32
    %dma_start3A_151 = arith.constant 153 : i32
    %dma_start3A_152 = arith.constant 0 : i32
    %dma_start3A_153 = arith.constant 0 : i32
    %dma_start3A_154 = tpu.memref_slice %arg8[%dma_start3A_150, %dma_start3A_152, %dma_start3A_153] : memref<8x125x64xbf16, #tpu.memory_space<vmem>> -> memref<1x125x64xbf16, #tpu.memory_space<vmem>>
    %dma_start3A_155 = tpu.memref_squeeze %dma_start3A_154 : memref<1x125x64xbf16, #tpu.memory_space<vmem>> -> memref<125x64xbf16, #tpu.memory_space<vmem>>
    %dma_start3A_156 = arith.constant 0 : i32
    %dma_start3A_157 = tpu.memref_slice %arg7[%dma_start3A_151, %dma_start3A_156] : memref<160x125xi32, #tpu.memory_space<vmem>> -> memref<1x125xi32, #tpu.memory_space<vmem>>
    %dma_start3A_158 = tpu.memref_squeeze %dma_start3A_157 : memref<1x125xi32, #tpu.memory_space<vmem>> -> memref<125xi32, #tpu.memory_space<vmem>>
    %dma_start3A_159 = arith.constant 0 : i32
    %dma_start3A_160 = arith.constant 0 : i32
    %dma_start3A_161 = tpu.memref_slice %arg10[%dma_start3A_159, %dma_start3A_160] : memref<10240x64xbf16, #tpu.memory_space<vmem_shared>> -> memref<10240x64xbf16, #tpu.memory_space<vmem_shared>>
    tpu.enqueue_indirect_dma source(%dma_start3A_155 : memref<125x64xbf16, #tpu.memory_space<vmem>>) target(%dma_start3A_161 : memref<10240x64xbf16, #tpu.memory_space<vmem_shared>>) offsets(%dma_start3A_158 : memref<125xi32, #tpu.memory_space<vmem>>) semaphore(%arg20 : memref<!tpu.dma_semaphore, #tpu.memory_space<semaphore_mem>>) {add = true}
    %dma_wait3A_162 = arith.constant 154 : i32
    %dma_wait3A_163 = arith.constant 2 : i32
    %dma_wait3A_164 = arith.constant 0 : i32
    %dma_wait3A_165 = arith.constant 0 : i32
    %dma_wait3A_166 = tpu.memref_slice %arg8[%dma_wait3A_163, %dma_wait3A_164, %dma_wait3A_165] : memref<8x125x64xbf16, #tpu.memory_space<vmem>> -> memref<1x125x64xbf16, #tpu.memory_space<vmem>>
    %dma_wait3A_167 = tpu.memref_squeeze %dma_wait3A_166 : memref<1x125x64xbf16, #tpu.memory_space<vmem>> -> memref<125x64xbf16, #tpu.memory_space<vmem>>
    %dma_wait3A_168 = arith.constant 0 : i32
    %dma_wait3A_169 = tpu.memref_slice %arg6[%dma_wait3A_162, %dma_wait3A_168] : memref<160x125xi32, #tpu.memory_space<vmem>> -> memref<1x125xi32, #tpu.memory_space<vmem>>
    %dma_wait3A_170 = tpu.memref_squeeze %dma_wait3A_169 : memref<1x125xi32, #tpu.memory_space<vmem>> -> memref<125xi32, #tpu.memory_space<vmem>>
    %dma_wait3A_171 = arith.constant 0 : i32
    %dma_wait3A_172 = arith.constant 0 : i32
    %dma_wait3A_173 = tpu.memref_slice %arg4[%dma_wait3A_171, %dma_wait3A_172] : memref<20000x64xbf16, #tpu.memory_space<hbm>> -> memref<20000x64xbf16, #tpu.memory_space<hbm>>
    tpu.wait_indirect_dma semaphore(%arg13 : memref<!tpu.dma_semaphore, #tpu.memory_space<semaphore_mem>>) src(%dma_wait3A_173 : memref<20000x64xbf16, #tpu.memory_space<hbm>>) dst(%dma_wait3A_167 : memref<125x64xbf16, #tpu.memory_space<vmem>>)
    %dma_start3A_174 = arith.constant 2 : i32
    %dma_start3A_175 = arith.constant 154 : i32
    %dma_start3A_176 = arith.constant 0 : i32
    %dma_start3A_177 = arith.constant 0 : i32
    %dma_start3A_178 = tpu.memref_slice %arg8[%dma_start3A_174, %dma_start3A_176, %dma_start3A_177] : memref<8x125x64xbf16, #tpu.memory_space<vmem>> -> memref<1x125x64xbf16, #tpu.memory_space<vmem>>
    %dma_start3A_179 = tpu.memref_squeeze %dma_start3A_178 : memref<1x125x64xbf16, #tpu.memory_space<vmem>> -> memref<125x64xbf16, #tpu.memory_space<vmem>>
    %dma_start3A_180 = arith.constant 0 : i32
    %dma_start3A_181 = tpu.memref_slice %arg7[%dma_start3A_175, %dma_start3A_180] : memref<160x125xi32, #tpu.memory_space<vmem>> -> memref<1x125xi32, #tpu.memory_space<vmem>>
    %dma_start3A_182 = tpu.memref_squeeze %dma_start3A_181 : memref<1x125xi32, #tpu.memory_space<vmem>> -> memref<125xi32, #tpu.memory_space<vmem>>
    %dma_start3A_183 = arith.constant 0 : i32
    %dma_start3A_184 = arith.constant 0 : i32
    %dma_start3A_185 = tpu.memref_slice %arg10[%dma_start3A_183, %dma_start3A_184] : memref<10240x64xbf16, #tpu.memory_space<vmem_shared>> -> memref<10240x64xbf16, #tpu.memory_space<vmem_shared>>
    tpu.enqueue_indirect_dma source(%dma_start3A_179 : memref<125x64xbf16, #tpu.memory_space<vmem>>) target(%dma_start3A_185 : memref<10240x64xbf16, #tpu.memory_space<vmem_shared>>) offsets(%dma_start3A_182 : memref<125xi32, #tpu.memory_space<vmem>>) semaphore(%arg21 : memref<!tpu.dma_semaphore, #tpu.memory_space<semaphore_mem>>) {add = true}
    %dma_wait3A_186 = arith.constant 155 : i32
    %dma_wait3A_187 = arith.constant 3 : i32
    %dma_wait3A_188 = arith.constant 0 : i32
    %dma_wait3A_189 = arith.constant 0 : i32
    %dma_wait3A_190 = tpu.memref_slice %arg8[%dma_wait3A_187, %dma_wait3A_188, %dma_wait3A_189] : memref<8x125x64xbf16, #tpu.memory_space<vmem>> -> memref<1x125x64xbf16, #tpu.memory_space<vmem>>
    %dma_wait3A_191 = tpu.memref_squeeze %dma_wait3A_190 : memref<1x125x64xbf16, #tpu.memory_space<vmem>> -> memref<125x64xbf16, #tpu.memory_space<vmem>>
    %dma_wait3A_192 = arith.constant 0 : i32
    %dma_wait3A_193 = tpu.memref_slice %arg6[%dma_wait3A_186, %dma_wait3A_192] : memref<160x125xi32, #tpu.memory_space<vmem>> -> memref<1x125xi32, #tpu.memory_space<vmem>>
    %dma_wait3A_194 = tpu.memref_squeeze %dma_wait3A_193 : memref<1x125xi32, #tpu.memory_space<vmem>> -> memref<125xi32, #tpu.memory_space<vmem>>
    %dma_wait3A_195 = arith.constant 0 : i32
    %dma_wait3A_196 = arith.constant 0 : i32
    %dma_wait3A_197 = tpu.memref_slice %arg4[%dma_wait3A_195, %dma_wait3A_196] : memref<20000x64xbf16, #tpu.memory_space<hbm>> -> memref<20000x64xbf16, #tpu.memory_space<hbm>>
    tpu.wait_indirect_dma semaphore(%arg14 : memref<!tpu.dma_semaphore, #tpu.memory_space<semaphore_mem>>) src(%dma_wait3A_197 : memref<20000x64xbf16, #tpu.memory_space<hbm>>) dst(%dma_wait3A_191 : memref<125x64xbf16, #tpu.memory_space<vmem>>)
    %dma_start3A_198 = arith.constant 3 : i32
    %dma_start3A_199 = arith.constant 155 : i32
    %dma_start3A_200 = arith.constant 0 : i32
    %dma_start3A_201 = arith.constant 0 : i32
    %dma_start3A_202 = tpu.memref_slice %arg8[%dma_start3A_198, %dma_start3A_200, %dma_start3A_201] : memref<8x125x64xbf16, #tpu.memory_space<vmem>> -> memref<1x125x64xbf16, #tpu.memory_space<vmem>>
    %dma_start3A_203 = tpu.memref_squeeze %dma_start3A_202 : memref<1x125x64xbf16, #tpu.memory_space<vmem>> -> memref<125x64xbf16, #tpu.memory_space<vmem>>
    %dma_start3A_204 = arith.constant 0 : i32
    %dma_start3A_205 = tpu.memref_slice %arg7[%dma_start3A_199, %dma_start3A_204] : memref<160x125xi32, #tpu.memory_space<vmem>> -> memref<1x125xi32, #tpu.memory_space<vmem>>
    %dma_start3A_206 = tpu.memref_squeeze %dma_start3A_205 : memref<1x125xi32, #tpu.memory_space<vmem>> -> memref<125xi32, #tpu.memory_space<vmem>>
    %dma_start3A_207 = arith.constant 0 : i32
    %dma_start3A_208 = arith.constant 0 : i32
    %dma_start3A_209 = tpu.memref_slice %arg10[%dma_start3A_207, %dma_start3A_208] : memref<10240x64xbf16, #tpu.memory_space<vmem_shared>> -> memref<10240x64xbf16, #tpu.memory_space<vmem_shared>>
    tpu.enqueue_indirect_dma source(%dma_start3A_203 : memref<125x64xbf16, #tpu.memory_space<vmem>>) target(%dma_start3A_209 : memref<10240x64xbf16, #tpu.memory_space<vmem_shared>>) offsets(%dma_start3A_206 : memref<125xi32, #tpu.memory_space<vmem>>) semaphore(%arg22 : memref<!tpu.dma_semaphore, #tpu.memory_space<semaphore_mem>>) {add = true}
    %dma_wait3A_210 = arith.constant 156 : i32
    %dma_wait3A_211 = arith.constant 4 : i32
    %dma_wait3A_212 = arith.constant 0 : i32
    %dma_wait3A_213 = arith.constant 0 : i32
    %dma_wait3A_214 = tpu.memref_slice %arg8[%dma_wait3A_211, %dma_wait3A_212, %dma_wait3A_213] : memref<8x125x64xbf16, #tpu.memory_space<vmem>> -> memref<1x125x64xbf16, #tpu.memory_space<vmem>>
    %dma_wait3A_215 = tpu.memref_squeeze %dma_wait3A_214 : memref<1x125x64xbf16, #tpu.memory_space<vmem>> -> memref<125x64xbf16, #tpu.memory_space<vmem>>
    %dma_wait3A_216 = arith.constant 0 : i32
    %dma_wait3A_217 = tpu.memref_slice %arg6[%dma_wait3A_210, %dma_wait3A_216] : memref<160x125xi32, #tpu.memory_space<vmem>> -> memref<1x125xi32, #tpu.memory_space<vmem>>
    %dma_wait3A_218 = tpu.memref_squeeze %dma_wait3A_217 : memref<1x125xi32, #tpu.memory_space<vmem>> -> memref<125xi32, #tpu.memory_space<vmem>>
    %dma_wait3A_219 = arith.constant 0 : i32
    %dma_wait3A_220 = arith.constant 0 : i32
    %dma_wait3A_221 = tpu.memref_slice %arg4[%dma_wait3A_219, %dma_wait3A_220] : memref<20000x64xbf16, #tpu.memory_space<hbm>> -> memref<20000x64xbf16, #tpu.memory_space<hbm>>
    tpu.wait_indirect_dma semaphore(%arg15 : memref<!tpu.dma_semaphore, #tpu.memory_space<semaphore_mem>>) src(%dma_wait3A_221 : memref<20000x64xbf16, #tpu.memory_space<hbm>>) dst(%dma_wait3A_215 : memref<125x64xbf16, #tpu.memory_space<vmem>>)
    %dma_start3A_222 = arith.constant 4 : i32
    %dma_start3A_223 = arith.constant 156 : i32
    %dma_start3A_224 = arith.constant 0 : i32
    %dma_start3A_225 = arith.constant 0 : i32
    %dma_start3A_226 = tpu.memref_slice %arg8[%dma_start3A_222, %dma_start3A_224, %dma_start3A_225] : memref<8x125x64xbf16, #tpu.memory_space<vmem>> -> memref<1x125x64xbf16, #tpu.memory_space<vmem>>
    %dma_start3A_227 = tpu.memref_squeeze %dma_start3A_226 : memref<1x125x64xbf16, #tpu.memory_space<vmem>> -> memref<125x64xbf16, #tpu.memory_space<vmem>>
    %dma_start3A_228 = arith.constant 0 : i32
    %dma_start3A_229 = tpu.memref_slice %arg7[%dma_start3A_223, %dma_start3A_228] : memref<160x125xi32, #tpu.memory_space<vmem>> -> memref<1x125xi32, #tpu.memory_space<vmem>>
    %dma_start3A_230 = tpu.memref_squeeze %dma_start3A_229 : memref<1x125xi32, #tpu.memory_space<vmem>> -> memref<125xi32, #tpu.memory_space<vmem>>
    %dma_start3A_231 = arith.constant 0 : i32
    %dma_start3A_232 = arith.constant 0 : i32
    %dma_start3A_233 = tpu.memref_slice %arg10[%dma_start3A_231, %dma_start3A_232] : memref<10240x64xbf16, #tpu.memory_space<vmem_shared>> -> memref<10240x64xbf16, #tpu.memory_space<vmem_shared>>
    tpu.enqueue_indirect_dma source(%dma_start3A_227 : memref<125x64xbf16, #tpu.memory_space<vmem>>) target(%dma_start3A_233 : memref<10240x64xbf16, #tpu.memory_space<vmem_shared>>) offsets(%dma_start3A_230 : memref<125xi32, #tpu.memory_space<vmem>>) semaphore(%arg23 : memref<!tpu.dma_semaphore, #tpu.memory_space<semaphore_mem>>) {add = true}
    %dma_wait3A_234 = arith.constant 157 : i32
    %dma_wait3A_235 = arith.constant 5 : i32
    %dma_wait3A_236 = arith.constant 0 : i32
    %dma_wait3A_237 = arith.constant 0 : i32
    %dma_wait3A_238 = tpu.memref_slice %arg8[%dma_wait3A_235, %dma_wait3A_236, %dma_wait3A_237] : memref<8x125x64xbf16, #tpu.memory_space<vmem>> -> memref<1x125x64xbf16, #tpu.memory_space<vmem>>
    %dma_wait3A_239 = tpu.memref_squeeze %dma_wait3A_238 : memref<1x125x64xbf16, #tpu.memory_space<vmem>> -> memref<125x64xbf16, #tpu.memory_space<vmem>>
    %dma_wait3A_240 = arith.constant 0 : i32
    %dma_wait3A_241 = tpu.memref_slice %arg6[%dma_wait3A_234, %dma_wait3A_240] : memref<160x125xi32, #tpu.memory_space<vmem>> -> memref<1x125xi32, #tpu.memory_space<vmem>>
    %dma_wait3A_242 = tpu.memref_squeeze %dma_wait3A_241 : memref<1x125xi32, #tpu.memory_space<vmem>> -> memref<125xi32, #tpu.memory_space<vmem>>
    %dma_wait3A_243 = arith.constant 0 : i32
    %dma_wait3A_244 = arith.constant 0 : i32
    %dma_wait3A_245 = tpu.memref_slice %arg4[%dma_wait3A_243, %dma_wait3A_244] : memref<20000x64xbf16, #tpu.memory_space<hbm>> -> memref<20000x64xbf16, #tpu.memory_space<hbm>>
    tpu.wait_indirect_dma semaphore(%arg16 : memref<!tpu.dma_semaphore, #tpu.memory_space<semaphore_mem>>) src(%dma_wait3A_245 : memref<20000x64xbf16, #tpu.memory_space<hbm>>) dst(%dma_wait3A_239 : memref<125x64xbf16, #tpu.memory_space<vmem>>)
    %dma_start3A_246 = arith.constant 5 : i32
    %dma_start3A_247 = arith.constant 157 : i32
    %dma_start3A_248 = arith.constant 0 : i32
    %dma_start3A_249 = arith.constant 0 : i32
    %dma_start3A_250 = tpu.memref_slice %arg8[%dma_start3A_246, %dma_start3A_248, %dma_start3A_249] : memref<8x125x64xbf16, #tpu.memory_space<vmem>> -> memref<1x125x64xbf16, #tpu.memory_space<vmem>>
    %dma_start3A_251 = tpu.memref_squeeze %dma_start3A_250 : memref<1x125x64xbf16, #tpu.memory_space<vmem>> -> memref<125x64xbf16, #tpu.memory_space<vmem>>
    %dma_start3A_252 = arith.constant 0 : i32
    %dma_start3A_253 = tpu.memref_slice %arg7[%dma_start3A_247, %dma_start3A_252] : memref<160x125xi32, #tpu.memory_space<vmem>> -> memref<1x125xi32, #tpu.memory_space<vmem>>
    %dma_start3A_254 = tpu.memref_squeeze %dma_start3A_253 : memref<1x125xi32, #tpu.memory_space<vmem>> -> memref<125xi32, #tpu.memory_space<vmem>>
    %dma_start3A_255 = arith.constant 0 : i32
    %dma_start3A_256 = arith.constant 0 : i32
    %dma_start3A_257 = tpu.memref_slice %arg10[%dma_start3A_255, %dma_start3A_256] : memref<10240x64xbf16, #tpu.memory_space<vmem_shared>> -> memref<10240x64xbf16, #tpu.memory_space<vmem_shared>>
    tpu.enqueue_indirect_dma source(%dma_start3A_251 : memref<125x64xbf16, #tpu.memory_space<vmem>>) target(%dma_start3A_257 : memref<10240x64xbf16, #tpu.memory_space<vmem_shared>>) offsets(%dma_start3A_254 : memref<125xi32, #tpu.memory_space<vmem>>) semaphore(%arg24 : memref<!tpu.dma_semaphore, #tpu.memory_space<semaphore_mem>>) {add = true}
    %dma_wait3A_258 = arith.constant 158 : i32
    %dma_wait3A_259 = arith.constant 6 : i32
    %dma_wait3A_260 = arith.constant 0 : i32
    %dma_wait3A_261 = arith.constant 0 : i32
    %dma_wait3A_262 = tpu.memref_slice %arg8[%dma_wait3A_259, %dma_wait3A_260, %dma_wait3A_261] : memref<8x125x64xbf16, #tpu.memory_space<vmem>> -> memref<1x125x64xbf16, #tpu.memory_space<vmem>>
    %dma_wait3A_263 = tpu.memref_squeeze %dma_wait3A_262 : memref<1x125x64xbf16, #tpu.memory_space<vmem>> -> memref<125x64xbf16, #tpu.memory_space<vmem>>
    %dma_wait3A_264 = arith.constant 0 : i32
    %dma_wait3A_265 = tpu.memref_slice %arg6[%dma_wait3A_258, %dma_wait3A_264] : memref<160x125xi32, #tpu.memory_space<vmem>> -> memref<1x125xi32, #tpu.memory_space<vmem>>
    %dma_wait3A_266 = tpu.memref_squeeze %dma_wait3A_265 : memref<1x125xi32, #tpu.memory_space<vmem>> -> memref<125xi32, #tpu.memory_space<vmem>>
    %dma_wait3A_267 = arith.constant 0 : i32
    %dma_wait3A_268 = arith.constant 0 : i32
    %dma_wait3A_269 = tpu.memref_slice %arg4[%dma_wait3A_267, %dma_wait3A_268] : memref<20000x64xbf16, #tpu.memory_space<hbm>> -> memref<20000x64xbf16, #tpu.memory_space<hbm>>
    tpu.wait_indirect_dma semaphore(%arg17 : memref<!tpu.dma_semaphore, #tpu.memory_space<semaphore_mem>>) src(%dma_wait3A_269 : memref<20000x64xbf16, #tpu.memory_space<hbm>>) dst(%dma_wait3A_263 : memref<125x64xbf16, #tpu.memory_space<vmem>>)
    %dma_start3A_270 = arith.constant 6 : i32
    %dma_start3A_271 = arith.constant 158 : i32
    %dma_start3A_272 = arith.constant 0 : i32
    %dma_start3A_273 = arith.constant 0 : i32
    %dma_start3A_274 = tpu.memref_slice %arg8[%dma_start3A_270, %dma_start3A_272, %dma_start3A_273] : memref<8x125x64xbf16, #tpu.memory_space<vmem>> -> memref<1x125x64xbf16, #tpu.memory_space<vmem>>
    %dma_start3A_275 = tpu.memref_squeeze %dma_start3A_274 : memref<1x125x64xbf16, #tpu.memory_space<vmem>> -> memref<125x64xbf16, #tpu.memory_space<vmem>>
    %dma_start3A_276 = arith.constant 0 : i32
    %dma_start3A_277 = tpu.memref_slice %arg7[%dma_start3A_271, %dma_start3A_276] : memref<160x125xi32, #tpu.memory_space<vmem>> -> memref<1x125xi32, #tpu.memory_space<vmem>>
    %dma_start3A_278 = tpu.memref_squeeze %dma_start3A_277 : memref<1x125xi32, #tpu.memory_space<vmem>> -> memref<125xi32, #tpu.memory_space<vmem>>
    %dma_start3A_279 = arith.constant 0 : i32
    %dma_start3A_280 = arith.constant 0 : i32
    %dma_start3A_281 = tpu.memref_slice %arg10[%dma_start3A_279, %dma_start3A_280] : memref<10240x64xbf16, #tpu.memory_space<vmem_shared>> -> memref<10240x64xbf16, #tpu.memory_space<vmem_shared>>
    tpu.enqueue_indirect_dma source(%dma_start3A_275 : memref<125x64xbf16, #tpu.memory_space<vmem>>) target(%dma_start3A_281 : memref<10240x64xbf16, #tpu.memory_space<vmem_shared>>) offsets(%dma_start3A_278 : memref<125xi32, #tpu.memory_space<vmem>>) semaphore(%arg25 : memref<!tpu.dma_semaphore, #tpu.memory_space<semaphore_mem>>) {add = true}
    %dma_wait3A_282 = arith.constant 159 : i32
    %dma_wait3A_283 = arith.constant 7 : i32
    %dma_wait3A_284 = arith.constant 0 : i32
    %dma_wait3A_285 = arith.constant 0 : i32
    %dma_wait3A_286 = tpu.memref_slice %arg8[%dma_wait3A_283, %dma_wait3A_284, %dma_wait3A_285] : memref<8x125x64xbf16, #tpu.memory_space<vmem>> -> memref<1x125x64xbf16, #tpu.memory_space<vmem>>
    %dma_wait3A_287 = tpu.memref_squeeze %dma_wait3A_286 : memref<1x125x64xbf16, #tpu.memory_space<vmem>> -> memref<125x64xbf16, #tpu.memory_space<vmem>>
    %dma_wait3A_288 = arith.constant 0 : i32
    %dma_wait3A_289 = tpu.memref_slice %arg6[%dma_wait3A_282, %dma_wait3A_288] : memref<160x125xi32, #tpu.memory_space<vmem>> -> memref<1x125xi32, #tpu.memory_space<vmem>>
    %dma_wait3A_290 = tpu.memref_squeeze %dma_wait3A_289 : memref<1x125xi32, #tpu.memory_space<vmem>> -> memref<125xi32, #tpu.memory_space<vmem>>
    %dma_wait3A_291 = arith.constant 0 : i32
    %dma_wait3A_292 = arith.constant 0 : i32
    %dma_wait3A_293 = tpu.memref_slice %arg4[%dma_wait3A_291, %dma_wait3A_292] : memref<20000x64xbf16, #tpu.memory_space<hbm>> -> memref<20000x64xbf16, #tpu.memory_space<hbm>>
    tpu.wait_indirect_dma semaphore(%arg18 : memref<!tpu.dma_semaphore, #tpu.memory_space<semaphore_mem>>) src(%dma_wait3A_293 : memref<20000x64xbf16, #tpu.memory_space<hbm>>) dst(%dma_wait3A_287 : memref<125x64xbf16, #tpu.memory_space<vmem>>)
    %dma_start3A_294 = arith.constant 7 : i32
    %dma_start3A_295 = arith.constant 159 : i32
    %dma_start3A_296 = arith.constant 0 : i32
    %dma_start3A_297 = arith.constant 0 : i32
    %dma_start3A_298 = tpu.memref_slice %arg8[%dma_start3A_294, %dma_start3A_296, %dma_start3A_297] : memref<8x125x64xbf16, #tpu.memory_space<vmem>> -> memref<1x125x64xbf16, #tpu.memory_space<vmem>>
    %dma_start3A_299 = tpu.memref_squeeze %dma_start3A_298 : memref<1x125x64xbf16, #tpu.memory_space<vmem>> -> memref<125x64xbf16, #tpu.memory_space<vmem>>
    %dma_start3A_300 = arith.constant 0 : i32
    %dma_start3A_301 = tpu.memref_slice %arg7[%dma_start3A_295, %dma_start3A_300] : memref<160x125xi32, #tpu.memory_space<vmem>> -> memref<1x125xi32, #tpu.memory_space<vmem>>
    %dma_start3A_302 = tpu.memref_squeeze %dma_start3A_301 : memref<1x125xi32, #tpu.memory_space<vmem>> -> memref<125xi32, #tpu.memory_space<vmem>>
    %dma_start3A_303 = arith.constant 0 : i32
    %dma_start3A_304 = arith.constant 0 : i32
    %dma_start3A_305 = tpu.memref_slice %arg10[%dma_start3A_303, %dma_start3A_304] : memref<10240x64xbf16, #tpu.memory_space<vmem_shared>> -> memref<10240x64xbf16, #tpu.memory_space<vmem_shared>>
    tpu.enqueue_indirect_dma source(%dma_start3A_299 : memref<125x64xbf16, #tpu.memory_space<vmem>>) target(%dma_start3A_305 : memref<10240x64xbf16, #tpu.memory_space<vmem_shared>>) offsets(%dma_start3A_302 : memref<125xi32, #tpu.memory_space<vmem>>) semaphore(%arg26 : memref<!tpu.dma_semaphore, #tpu.memory_space<semaphore_mem>>) {add = true}
    %dma_wait3A_306 = arith.constant 0 : i32
    %dma_wait3A_307 = arith.constant 152 : i32
    %dma_wait3A_308 = arith.constant 0 : i32
    %dma_wait3A_309 = arith.constant 0 : i32
    %dma_wait3A_310 = tpu.memref_slice %arg8[%dma_wait3A_306, %dma_wait3A_308, %dma_wait3A_309] : memref<8x125x64xbf16, #tpu.memory_space<vmem>> -> memref<1x125x64xbf16, #tpu.memory_space<vmem>>
    %dma_wait3A_311 = tpu.memref_squeeze %dma_wait3A_310 : memref<1x125x64xbf16, #tpu.memory_space<vmem>> -> memref<125x64xbf16, #tpu.memory_space<vmem>>
    %dma_wait3A_312 = arith.constant 0 : i32
    %dma_wait3A_313 = tpu.memref_slice %arg7[%dma_wait3A_307, %dma_wait3A_312] : memref<160x125xi32, #tpu.memory_space<vmem>> -> memref<1x125xi32, #tpu.memory_space<vmem>>
    %dma_wait3A_314 = tpu.memref_squeeze %dma_wait3A_313 : memref<1x125xi32, #tpu.memory_space<vmem>> -> memref<125xi32, #tpu.memory_space<vmem>>
    %dma_wait3A_315 = arith.constant 0 : i32
    %dma_wait3A_316 = arith.constant 0 : i32
    %dma_wait3A_317 = tpu.memref_slice %arg10[%dma_wait3A_315, %dma_wait3A_316] : memref<10240x64xbf16, #tpu.memory_space<vmem_shared>> -> memref<10240x64xbf16, #tpu.memory_space<vmem_shared>>
    tpu.wait_indirect_dma semaphore(%arg19 : memref<!tpu.dma_semaphore, #tpu.memory_space<semaphore_mem>>) src(%dma_wait3A_311 : memref<125x64xbf16, #tpu.memory_space<vmem>>) dst(%dma_wait3A_317 : memref<10240x64xbf16, #tpu.memory_space<vmem_shared>>)
    %dma_wait3A_318 = arith.constant 1 : i32
    %dma_wait3A_319 = arith.constant 153 : i32
    %dma_wait3A_320 = arith.constant 0 : i32
    %dma_wait3A_321 = arith.constant 0 : i32
    %dma_wait3A_322 = tpu.memref_slice %arg8[%dma_wait3A_318, %dma_wait3A_320, %dma_wait3A_321] : memref<8x125x64xbf16, #tpu.memory_space<vmem>> -> memref<1x125x64xbf16, #tpu.memory_space<vmem>>
    %dma_wait3A_323 = tpu.memref_squeeze %dma_wait3A_322 : memref<1x125x64xbf16, #tpu.memory_space<vmem>> -> memref<125x64xbf16, #tpu.memory_space<vmem>>
    %dma_wait3A_324 = arith.constant 0 : i32
    %dma_wait3A_325 = tpu.memref_slice %arg7[%dma_wait3A_319, %dma_wait3A_324] : memref<160x125xi32, #tpu.memory_space<vmem>> -> memref<1x125xi32, #tpu.memory_space<vmem>>
    %dma_wait3A_326 = tpu.memref_squeeze %dma_wait3A_325 : memref<1x125xi32, #tpu.memory_space<vmem>> -> memref<125xi32, #tpu.memory_space<vmem>>
    %dma_wait3A_327 = arith.constant 0 : i32
    %dma_wait3A_328 = arith.constant 0 : i32
    %dma_wait3A_329 = tpu.memref_slice %arg10[%dma_wait3A_327, %dma_wait3A_328] : memref<10240x64xbf16, #tpu.memory_space<vmem_shared>> -> memref<10240x64xbf16, #tpu.memory_space<vmem_shared>>
    tpu.wait_indirect_dma semaphore(%arg20 : memref<!tpu.dma_semaphore, #tpu.memory_space<semaphore_mem>>) src(%dma_wait3A_323 : memref<125x64xbf16, #tpu.memory_space<vmem>>) dst(%dma_wait3A_329 : memref<10240x64xbf16, #tpu.memory_space<vmem_shared>>)
    %dma_wait3A_330 = arith.constant 2 : i32
    %dma_wait3A_331 = arith.constant 154 : i32
    %dma_wait3A_332 = arith.constant 0 : i32
    %dma_wait3A_333 = arith.constant 0 : i32
    %dma_wait3A_334 = tpu.memref_slice %arg8[%dma_wait3A_330, %dma_wait3A_332, %dma_wait3A_333] : memref<8x125x64xbf16, #tpu.memory_space<vmem>> -> memref<1x125x64xbf16, #tpu.memory_space<vmem>>
    %dma_wait3A_335 = tpu.memref_squeeze %dma_wait3A_334 : memref<1x125x64xbf16, #tpu.memory_space<vmem>> -> memref<125x64xbf16, #tpu.memory_space<vmem>>
    %dma_wait3A_336 = arith.constant 0 : i32
    %dma_wait3A_337 = tpu.memref_slice %arg7[%dma_wait3A_331, %dma_wait3A_336] : memref<160x125xi32, #tpu.memory_space<vmem>> -> memref<1x125xi32, #tpu.memory_space<vmem>>
    %dma_wait3A_338 = tpu.memref_squeeze %dma_wait3A_337 : memref<1x125xi32, #tpu.memory_space<vmem>> -> memref<125xi32, #tpu.memory_space<vmem>>
    %dma_wait3A_339 = arith.constant 0 : i32
    %dma_wait3A_340 = arith.constant 0 : i32
    %dma_wait3A_341 = tpu.memref_slice %arg10[%dma_wait3A_339, %dma_wait3A_340] : memref<10240x64xbf16, #tpu.memory_space<vmem_shared>> -> memref<10240x64xbf16, #tpu.memory_space<vmem_shared>>
    tpu.wait_indirect_dma semaphore(%arg21 : memref<!tpu.dma_semaphore, #tpu.memory_space<semaphore_mem>>) src(%dma_wait3A_335 : memref<125x64xbf16, #tpu.memory_space<vmem>>) dst(%dma_wait3A_341 : memref<10240x64xbf16, #tpu.memory_space<vmem_shared>>)
    %dma_wait3A_342 = arith.constant 3 : i32
    %dma_wait3A_343 = arith.constant 155 : i32
    %dma_wait3A_344 = arith.constant 0 : i32
    %dma_wait3A_345 = arith.constant 0 : i32
    %dma_wait3A_346 = tpu.memref_slice %arg8[%dma_wait3A_342, %dma_wait3A_344, %dma_wait3A_345] : memref<8x125x64xbf16, #tpu.memory_space<vmem>> -> memref<1x125x64xbf16, #tpu.memory_space<vmem>>
    %dma_wait3A_347 = tpu.memref_squeeze %dma_wait3A_346 : memref<1x125x64xbf16, #tpu.memory_space<vmem>> -> memref<125x64xbf16, #tpu.memory_space<vmem>>
    %dma_wait3A_348 = arith.constant 0 : i32
    %dma_wait3A_349 = tpu.memref_slice %arg7[%dma_wait3A_343, %dma_wait3A_348] : memref<160x125xi32, #tpu.memory_space<vmem>> -> memref<1x125xi32, #tpu.memory_space<vmem>>
    %dma_wait3A_350 = tpu.memref_squeeze %dma_wait3A_349 : memref<1x125xi32, #tpu.memory_space<vmem>> -> memref<125xi32, #tpu.memory_space<vmem>>
    %dma_wait3A_351 = arith.constant 0 : i32
    %dma_wait3A_352 = arith.constant 0 : i32
    %dma_wait3A_353 = tpu.memref_slice %arg10[%dma_wait3A_351, %dma_wait3A_352] : memref<10240x64xbf16, #tpu.memory_space<vmem_shared>> -> memref<10240x64xbf16, #tpu.memory_space<vmem_shared>>
    tpu.wait_indirect_dma semaphore(%arg22 : memref<!tpu.dma_semaphore, #tpu.memory_space<semaphore_mem>>) src(%dma_wait3A_347 : memref<125x64xbf16, #tpu.memory_space<vmem>>) dst(%dma_wait3A_353 : memref<10240x64xbf16, #tpu.memory_space<vmem_shared>>)
    %dma_wait3A_354 = arith.constant 4 : i32
    %dma_wait3A_355 = arith.constant 156 : i32
    %dma_wait3A_356 = arith.constant 0 : i32
    %dma_wait3A_357 = arith.constant 0 : i32
    %dma_wait3A_358 = tpu.memref_slice %arg8[%dma_wait3A_354, %dma_wait3A_356, %dma_wait3A_357] : memref<8x125x64xbf16, #tpu.memory_space<vmem>> -> memref<1x125x64xbf16, #tpu.memory_space<vmem>>
    %dma_wait3A_359 = tpu.memref_squeeze %dma_wait3A_358 : memref<1x125x64xbf16, #tpu.memory_space<vmem>> -> memref<125x64xbf16, #tpu.memory_space<vmem>>
    %dma_wait3A_360 = arith.constant 0 : i32
    %dma_wait3A_361 = tpu.memref_slice %arg7[%dma_wait3A_355, %dma_wait3A_360] : memref<160x125xi32, #tpu.memory_space<vmem>> -> memref<1x125xi32, #tpu.memory_space<vmem>>
    %dma_wait3A_362 = tpu.memref_squeeze %dma_wait3A_361 : memref<1x125xi32, #tpu.memory_space<vmem>> -> memref<125xi32, #tpu.memory_space<vmem>>
    %dma_wait3A_363 = arith.constant 0 : i32
    %dma_wait3A_364 = arith.constant 0 : i32
    %dma_wait3A_365 = tpu.memref_slice %arg10[%dma_wait3A_363, %dma_wait3A_364] : memref<10240x64xbf16, #tpu.memory_space<vmem_shared>> -> memref<10240x64xbf16, #tpu.memory_space<vmem_shared>>
    tpu.wait_indirect_dma semaphore(%arg23 : memref<!tpu.dma_semaphore, #tpu.memory_space<semaphore_mem>>) src(%dma_wait3A_359 : memref<125x64xbf16, #tpu.memory_space<vmem>>) dst(%dma_wait3A_365 : memref<10240x64xbf16, #tpu.memory_space<vmem_shared>>)
    %dma_wait3A_366 = arith.constant 5 : i32
    %dma_wait3A_367 = arith.constant 157 : i32
    %dma_wait3A_368 = arith.constant 0 : i32
    %dma_wait3A_369 = arith.constant 0 : i32
    %dma_wait3A_370 = tpu.memref_slice %arg8[%dma_wait3A_366, %dma_wait3A_368, %dma_wait3A_369] : memref<8x125x64xbf16, #tpu.memory_space<vmem>> -> memref<1x125x64xbf16, #tpu.memory_space<vmem>>
    %dma_wait3A_371 = tpu.memref_squeeze %dma_wait3A_370 : memref<1x125x64xbf16, #tpu.memory_space<vmem>> -> memref<125x64xbf16, #tpu.memory_space<vmem>>
    %dma_wait3A_372 = arith.constant 0 : i32
    %dma_wait3A_373 = tpu.memref_slice %arg7[%dma_wait3A_367, %dma_wait3A_372] : memref<160x125xi32, #tpu.memory_space<vmem>> -> memref<1x125xi32, #tpu.memory_space<vmem>>
    %dma_wait3A_374 = tpu.memref_squeeze %dma_wait3A_373 : memref<1x125xi32, #tpu.memory_space<vmem>> -> memref<125xi32, #tpu.memory_space<vmem>>
    %dma_wait3A_375 = arith.constant 0 : i32
    %dma_wait3A_376 = arith.constant 0 : i32
    %dma_wait3A_377 = tpu.memref_slice %arg10[%dma_wait3A_375, %dma_wait3A_376] : memref<10240x64xbf16, #tpu.memory_space<vmem_shared>> -> memref<10240x64xbf16, #tpu.memory_space<vmem_shared>>
    tpu.wait_indirect_dma semaphore(%arg24 : memref<!tpu.dma_semaphore, #tpu.memory_space<semaphore_mem>>) src(%dma_wait3A_371 : memref<125x64xbf16, #tpu.memory_space<vmem>>) dst(%dma_wait3A_377 : memref<10240x64xbf16, #tpu.memory_space<vmem_shared>>)
    %dma_wait3A_378 = arith.constant 6 : i32
    %dma_wait3A_379 = arith.constant 158 : i32
    %dma_wait3A_380 = arith.constant 0 : i32
    %dma_wait3A_381 = arith.constant 0 : i32
    %dma_wait3A_382 = tpu.memref_slice %arg8[%dma_wait3A_378, %dma_wait3A_380, %dma_wait3A_381] : memref<8x125x64xbf16, #tpu.memory_space<vmem>> -> memref<1x125x64xbf16, #tpu.memory_space<vmem>>
    %dma_wait3A_383 = tpu.memref_squeeze %dma_wait3A_382 : memref<1x125x64xbf16, #tpu.memory_space<vmem>> -> memref<125x64xbf16, #tpu.memory_space<vmem>>
    %dma_wait3A_384 = arith.constant 0 : i32
    %dma_wait3A_385 = tpu.memref_slice %arg7[%dma_wait3A_379, %dma_wait3A_384] : memref<160x125xi32, #tpu.memory_space<vmem>> -> memref<1x125xi32, #tpu.memory_space<vmem>>
    %dma_wait3A_386 = tpu.memref_squeeze %dma_wait3A_385 : memref<1x125xi32, #tpu.memory_space<vmem>> -> memref<125xi32, #tpu.memory_space<vmem>>
    %dma_wait3A_387 = arith.constant 0 : i32
    %dma_wait3A_388 = arith.constant 0 : i32
    %dma_wait3A_389 = tpu.memref_slice %arg10[%dma_wait3A_387, %dma_wait3A_388] : memref<10240x64xbf16, #tpu.memory_space<vmem_shared>> -> memref<10240x64xbf16, #tpu.memory_space<vmem_shared>>
    tpu.wait_indirect_dma semaphore(%arg25 : memref<!tpu.dma_semaphore, #tpu.memory_space<semaphore_mem>>) src(%dma_wait3A_383 : memref<125x64xbf16, #tpu.memory_space<vmem>>) dst(%dma_wait3A_389 : memref<10240x64xbf16, #tpu.memory_space<vmem_shared>>)
    %dma_wait3A_390 = arith.constant 7 : i32
    %dma_wait3A_391 = arith.constant 159 : i32
    %dma_wait3A_392 = arith.constant 0 : i32
    %dma_wait3A_393 = arith.constant 0 : i32
    %dma_wait3A_394 = tpu.memref_slice %arg8[%dma_wait3A_390, %dma_wait3A_392, %dma_wait3A_393] : memref<8x125x64xbf16, #tpu.memory_space<vmem>> -> memref<1x125x64xbf16, #tpu.memory_space<vmem>>
    %dma_wait3A_395 = tpu.memref_squeeze %dma_wait3A_394 : memref<1x125x64xbf16, #tpu.memory_space<vmem>> -> memref<125x64xbf16, #tpu.memory_space<vmem>>
    %dma_wait3A_396 = arith.constant 0 : i32
    %dma_wait3A_397 = tpu.memref_slice %arg7[%dma_wait3A_391, %dma_wait3A_396] : memref<160x125xi32, #tpu.memory_space<vmem>> -> memref<1x125xi32, #tpu.memory_space<vmem>>
    %dma_wait3A_398 = tpu.memref_squeeze %dma_wait3A_397 : memref<1x125xi32, #tpu.memory_space<vmem>> -> memref<125xi32, #tpu.memory_space<vmem>>
    %dma_wait3A_399 = arith.constant 0 : i32
    %dma_wait3A_400 = arith.constant 0 : i32
    %dma_wait3A_401 = tpu.memref_slice %arg10[%dma_wait3A_399, %dma_wait3A_400] : memref<10240x64xbf16, #tpu.memory_space<vmem_shared>> -> memref<10240x64xbf16, #tpu.memory_space<vmem_shared>>
    tpu.wait_indirect_dma semaphore(%arg26 : memref<!tpu.dma_semaphore, #tpu.memory_space<semaphore_mem>>) src(%dma_wait3A_395 : memref<125x64xbf16, #tpu.memory_space<vmem>>) dst(%dma_wait3A_401 : memref<10240x64xbf16, #tpu.memory_space<vmem_shared>>)
    %barrier3A_402 = arith.constant 0 : index
    tpu.barrier barrier_id(%barrier3A_402)
    %mul3A = arith.constant 640 : i32
    %mul3A_403 = arith.muli %arg1, %mul3A : i32
    %mul3A_404 = arith.constant 640 : i32
    %mul3A_405 = arith.muli %arg1, %mul3A_404 : i32
    %mul3A_406 = arith.constant 64 : i32
    %mul3A_407 = arith.muli %arg0, %mul3A_406 : i32
    "tpu.region"() ({
      %run_scoped3A = tpu.sem_alloc : memref<!tpu.dma_semaphore, #tpu.memory_space<semaphore_mem>>
      %dma_start3A_408 = tpu.memref_slice %arg5[%mul3A_405, %mul3A_407] : memref<10240x128xbf16, #tpu.memory_space<hbm>> -> memref<640x64xbf16, #tpu.memory_space<hbm>>
      %dma_start3A_409 = arith.constant 0 : i32
      %dma_start3A_410 = tpu.memref_slice %arg10[%mul3A_403, %dma_start3A_409] : memref<10240x64xbf16, #tpu.memory_space<vmem_shared>> -> memref<640x64xbf16, #tpu.memory_space<vmem_shared>>
      tpu.enqueue_dma source(%dma_start3A_410 : memref<640x64xbf16, #tpu.memory_space<vmem_shared>>) target(%dma_start3A_408 : memref<640x64xbf16, #tpu.memory_space<hbm>>) target_semaphore(%run_scoped3A : memref<!tpu.dma_semaphore, #tpu.memory_space<semaphore_mem>>)
      %dma_wait3A_411 = tpu.memref_slice %arg5[%mul3A_405, %mul3A_407] : memref<10240x128xbf16, #tpu.memory_space<hbm>> -> memref<640x64xbf16, #tpu.memory_space<hbm>>
      %dma_wait3A_412 = arith.constant 0 : i32
      %dma_wait3A_413 = tpu.memref_slice %arg10[%mul3A_403, %dma_wait3A_412] : memref<10240x64xbf16, #tpu.memory_space<vmem_shared>> -> memref<640x64xbf16, #tpu.memory_space<vmem_shared>>
      tpu.wait_dma2 semaphore(%run_scoped3A : memref<!tpu.dma_semaphore, #tpu.memory_space<semaphore_mem>>) src(%dma_wait3A_413 : memref<640x64xbf16, #tpu.memory_space<vmem_shared>>) dst(%dma_wait3A_411 : memref<640x64xbf16, #tpu.memory_space<hbm>>)
      tpu.yield
    }) : () -> ()
    return
  }
}

module attributes {stable_mosaic.version = 14 : i64} {
  func.func @_scale_body(%arg0: memref<10000x2xf32, #tpu.memory_space<vmem>>, %arg1: memref<10000x128xf32, #tpu.memory_space<vmem>>, %arg2: memref<10000x128xbf16, #tpu.memory_space<vmem>>) attributes {dimension_semantics = [], scalar_prefetch = 0 : i64, scratch_operands = 0 : i64, tpu.core_type = #tpu.core_type<tc>} {
    %get3A = arith.constant 0 : index
    %get3A_0 = arith.constant 0 : index
    %get3A_1 = vector.load %arg0[%get3A, %get3A_0] : memref<10000x2xf32, #tpu.memory_space<vmem>>, vector<10000x1xf32>
    %get3A_2 = arith.constant 0 : index
    %get3A_3 = arith.constant 1 : index
    %get3A_4 = vector.load %arg0[%get3A_2, %get3A_3] : memref<10000x2xf32, #tpu.memory_space<vmem>>, vector<10000x1xf32>
    %add3A = arith.addf %get3A_1, %get3A_4 : vector<10000x1xf32>
    %add3A_5 = arith.constant 1.000000e+00 : f32
    %add3A_6 = vector.broadcast %add3A_5 : f32 to vector<10000x1xf32>
    %add3A_7 = arith.addf %add3A, %add3A_6 : vector<10000x1xf32>
    %rsqrt3A = math.rsqrt %add3A_7 : vector<10000x1xf32>
    %get3A_8 = arith.constant 0 : index
    %get3A_9 = arith.constant 0 : index
    %get3A_10 = vector.load %arg1[%get3A_8, %get3A_9] : memref<10000x128xf32, #tpu.memory_space<vmem>>, vector<10000x128xf32>
    %mul3A = vector.broadcast %rsqrt3A : vector<10000x1xf32> to vector<10000x128xf32>
    %mul3A_11 = arith.mulf %get3A_10, %mul3A : vector<10000x128xf32>
    %convert_element_type3A = arith.truncf %mul3A_11 : vector<10000x128xf32> to vector<10000x128xbf16>
    %swap3A = arith.constant 0 : index
    %swap3A_12 = arith.constant 0 : index
    %swap3A_13 = vector.load %arg2[%swap3A, %swap3A_12] : memref<10000x128xbf16, #tpu.memory_space<vmem>>, vector<10000x128xbf16>
    tpu.vector_store %arg2[%swap3A, %swap3A_12], %convert_element_type3A {strides = array<i32>} : memref<10000x128xbf16, #tpu.memory_space<vmem>>, vector<10000x128xbf16>,
    return
  }
}

module attributes {stable_mosaic.version = 14 : i64} {
  func.func @_mlp_body(%arg0: memref<10240x128xbf16, #tpu.memory_space<vmem>>, %arg1: memref<10000x128xf32, #tpu.memory_space<vmem>>, %arg2: memref<10000x2xf32, #tpu.memory_space<vmem>>, %arg3: memref<128x128xf32, #tpu.memory_space<vmem>>, %arg4: memref<1x128xf32, #tpu.memory_space<vmem>>, %arg5: memref<128x128xf32, #tpu.memory_space<vmem>>, %arg6: memref<1x128xf32, #tpu.memory_space<vmem>>, %arg7: memref<128x128xf32, #tpu.memory_space<vmem>>, %arg8: memref<1x128xf32, #tpu.memory_space<vmem>>, %arg9: memref<10000x128xf32, #tpu.memory_space<vmem>>) attributes {dimension_semantics = [], scalar_prefetch = 0 : i64, scratch_operands = 0 : i64, tpu.core_type = #tpu.core_type<tc>} {
    %get3A = arith.constant 0 : index
    %get3A_0 = arith.constant 0 : index
    %get3A_1 = vector.load %arg2[%get3A, %get3A_0] : memref<10000x2xf32, #tpu.memory_space<vmem>>, vector<10000x1xf32>
    %get3A_2 = arith.constant 0 : index
    %get3A_3 = arith.constant 1 : index
    %get3A_4 = vector.load %arg2[%get3A_2, %get3A_3] : memref<10000x2xf32, #tpu.memory_space<vmem>>, vector<10000x1xf32>
    %add3A = arith.addf %get3A_1, %get3A_4 : vector<10000x1xf32>
    %add3A_5 = arith.constant 1.000000e+00 : f32
    %add3A_6 = vector.broadcast %add3A_5 : f32 to vector<10000x1xf32>
    %add3A_7 = arith.addf %add3A, %add3A_6 : vector<10000x1xf32>
    %rsqrt3A = math.rsqrt %add3A_7 : vector<10000x1xf32>
    %get3A_8 = arith.constant 0 : index
    %get3A_9 = arith.constant 0 : index
    %get3A_10 = vector.load %arg0[%get3A_8, %get3A_9] : memref<10240x128xbf16, #tpu.memory_space<vmem>>, vector<10000x128xbf16>
    %convert_element_type3A = arith.extf %get3A_10 : vector<10000x128xbf16> to vector<10000x128xf32>
    %get3A_11 = arith.constant 0 : index
    %get3A_12 = arith.constant 0 : index
    %get3A_13 = vector.load %arg1[%get3A_11, %get3A_12] : memref<10000x128xf32, #tpu.memory_space<vmem>>, vector<10000x128xf32>
    %mul3A = vector.broadcast %rsqrt3A : vector<10000x1xf32> to vector<10000x128xf32>
    %mul3A_14 = arith.mulf %mul3A, %get3A_13 : vector<10000x128xf32>
    %add3A_15 = arith.addf %convert_element_type3A, %mul3A_14 : vector<10000x128xf32>
    %mul3A_16 = vector.broadcast %rsqrt3A : vector<10000x1xf32> to vector<10000x128xf32>
    %mul3A_17 = arith.mulf %mul3A_16, %add3A_15 : vector<10000x128xf32>
    %get3A_18 = arith.constant 0 : index
    %get3A_19 = arith.constant 0 : index
    %get3A_20 = vector.load %arg3[%get3A_18, %get3A_19] : memref<128x128xf32, #tpu.memory_space<vmem>>, vector<128x128xf32>
    %dot_general3A = arith.constant dense<0.000000e+00> : vector<10000x128xf32>
    %dot_general3A_21 = tpu.matmul %mul3A_17, %get3A_20, %dot_general3A {dimension_numbers = #tpu.dot_dimension_numbers<[1], [0], [0], [1], [0, 0, 1, 1], [], []>, transpose_lhs_hint = false} : vector<10000x128xf32>, vector<128x128xf32>, vector<10000x128xf32> -> vector<10000x128xf32>
    %get3A_22 = arith.constant 0 : index
    %get3A_23 = arith.constant 0 : index
    %get3A_24 = vector.load %arg4[%get3A_22, %get3A_23] : memref<1x128xf32, #tpu.memory_space<vmem>>, vector<1x128xf32>
    %add3A_25 = vector.broadcast %get3A_24 : vector<1x128xf32> to vector<10000x128xf32>
    %add3A_26 = arith.addf %dot_general3A_21, %add3A_25 : vector<10000x128xf32>
    %get3A_27 = arith.constant 0 : index
    %get3A_28 = arith.constant 0 : index
    %get3A_29 = vector.load %arg5[%get3A_27, %get3A_28] : memref<128x128xf32, #tpu.memory_space<vmem>>, vector<128x128xf32>
    %dot_general3A_30 = arith.constant dense<0.000000e+00> : vector<10000x128xf32>
    %dot_general3A_31 = tpu.matmul %add3A_26, %get3A_29, %dot_general3A_30 {dimension_numbers = #tpu.dot_dimension_numbers<[1], [0], [0], [1], [0, 0, 1, 1], [], []>, transpose_lhs_hint = false} : vector<10000x128xf32>, vector<128x128xf32>, vector<10000x128xf32> -> vector<10000x128xf32>
    %get3A_32 = arith.constant 0 : index
    %get3A_33 = arith.constant 0 : index
    %get3A_34 = vector.load %arg6[%get3A_32, %get3A_33] : memref<1x128xf32, #tpu.memory_space<vmem>>, vector<1x128xf32>
    %add3A_35 = vector.broadcast %get3A_34 : vector<1x128xf32> to vector<10000x128xf32>
    %add3A_36 = arith.addf %dot_general3A_31, %add3A_35 : vector<10000x128xf32>
    %max3A = arith.constant 0.000000e+00 : f32
    %max3A_37 = vector.broadcast %max3A : f32 to vector<10000x128xf32>
    %max3A_38 = arith.maximumf %add3A_36, %max3A_37 : vector<10000x128xf32>
    %get3A_39 = arith.constant 0 : index
    %get3A_40 = arith.constant 0 : index
    %get3A_41 = vector.load %arg7[%get3A_39, %get3A_40] : memref<128x128xf32, #tpu.memory_space<vmem>>, vector<128x128xf32>
    %dot_general3A_42 = arith.constant dense<0.000000e+00> : vector<10000x128xf32>
    %dot_general3A_43 = tpu.matmul %max3A_38, %get3A_41, %dot_general3A_42 {dimension_numbers = #tpu.dot_dimension_numbers<[1], [0], [0], [1], [0, 0, 1, 1], [], []>, transpose_lhs_hint = false} : vector<10000x128xf32>, vector<128x128xf32>, vector<10000x128xf32> -> vector<10000x128xf32>
    %get3A_44 = arith.constant 0 : index
    %get3A_45 = arith.constant 0 : index
    %get3A_46 = vector.load %arg8[%get3A_44, %get3A_45] : memref<1x128xf32, #tpu.memory_space<vmem>>, vector<1x128xf32>
    %add3A_47 = vector.broadcast %get3A_46 : vector<1x128xf32> to vector<10000x128xf32>
    %add3A_48 = arith.addf %dot_general3A_43, %add3A_47 : vector<10000x128xf32>
    %swap3A = arith.constant 0 : index
    %swap3A_49 = arith.constant 0 : index
    %swap3A_50 = vector.load %arg9[%swap3A, %swap3A_49] : memref<10000x128xf32, #tpu.memory_space<vmem>>, vector<10000x128xf32>
    tpu.vector_store %arg9[%swap3A, %swap3A_49], %add3A_48 {strides = array<i32>} : memref<10000x128xf32, #tpu.memory_space<vmem>>, vector<10000x128xf32>,
    return
  }
}

</mosaic_0001>

<sc_bundles>
// kernel: kernel.6.cloned.1.call-start
scs
__scs_entry_jumppad:
0x0: {  	(pc) =	sbr.rel $0x88, $3  }
0x1: {  	(tag) =	ssettag $0x0;
	lr =	simm.s32 $0x1  }
0x2: {  	[smem:$0x3F99] =	sst lr;
	_ =	strace $0xD0000000  }
0x3: {  	_ = 	snop  }
0x4: {  	_ = 	snop  }
0x5: {  	_ = 	snop  }
0x6: {  	_ = 	snop  }
0x7: {  	_ = 	snop  }
__scs_overlays_trampoline_lowered:
0x8: {  	[smem:$0x3FA8] =	sst s0  }
0x9: {  	[smem:$0x3FA9] =	sst s1  }
0xa: {  	[smem:$0x3FAA] =	sst s2  }
0xb: {  	[smem:$0x3FAB] =	sst s3  }
0xc: {  	[smem:$0x3FAC] =	sst s4  }
0xd: {  	[smem:$0x3FAD] =	sst s5  }
0xe: {  	[smem:$0x3FAE] =	sst s6  }
0xf: {  	[smem:$0x3FAF] =	sst s7  }
0x10: {  	[smem:$0x3FB0] =	sst s8  }
0x11: {  	[smem:$0x3FB1] =	sst s9;
	s0 =	simm.s32 @!p0 $0x0  }
0x12: {  	s1 =	sld [smem:$0x3F97];
	s0 =	simm.s32 @p0 $0x1  }
0x13: {  	[smem:$0x3FB2] =	sst s0;
	s0 =	simm.s32 @!p1 $0x0  }
0x14: {  	s2 =	sld [smem:$0x3F96];
	s0 =	simm.s32 @p1 $0x1  }
0x15: {  	[smem:$0x3FB3] =	sst s0;
	s0 =	simm.s32 @!p2 $0x0  }
0x16: {  	s3 =	sld [smem:$0x3FDB];
	s0 =	simm.s32 @p2 $0x1  }
0x17: {  	s4 =	simm.s32 $0x1BF5;
	[smem:$0x3FB5] =	sst s0  }
0x18: {  	s0 =	sld [smem:$0x3F98];
	_ =	swait.ge [sflag:s4], $0x0  }
0x19: {  	s7 =	sld [smem:$0x3F99]  }
0x1a: {  	s8 =	sadd.s32 $0xFFFFE003, lr  }
0x1b: {  	s9 =	sadd.s32 $0xFFFFFEF7, lr;
	s5 =	simm.s32 $0xFFFFFFFF;
	p2 =	slt.u32 s8, $0xFFFFF086  }
0x1c: {  	p1 =	slt.u32 s9, $0xF7A;
	s5 =	simm.s32 @!p2 $0x0  }
0x1d: {  	s5 =	simm.s32 @p1 $0x1;
	p0 =	seq.s32 s7, s2  }
0x1e: {  	s7 =	smul.u32 @!p0 $0xF7A, s2;
	p2 =	seq.s32 @!p0 s5, $0x0  }
0x1f: {  	s9 =	smul.u32 $0xF7A, s1;
	s8 =	simm.s32 @!p0 $0x1BF5;
	p2 =	por !p2, p0  }
0x20: {  	[sflag:s8] =	ssyncset.s32 @!p0 $0xFFFFF086;
	s6 =	sadd.s32 @!p0 s3, s7;
	s7 =	simm.s32 @!p0 $0x108  }
0x21: {  	s3 =	sadd.s32 s3, s9;
	s6 =	sadd.s32 @!p0 $0x88, s6;
	s7 =	simm.s32 @p2 $0x1082  }
0x22: {  	[simem:s7], [sflag:s8] =	dma.local @!p0 [hbm:s6], $0xF7A  }
0x23: {  	s9 =	sor.u32 $0xD0000000, s2;
	s6 =	simm.s32 $0x108;
	_ =	swait.ge @!p0 [sflag:s8], $0x0  }
0x24: {  	s3 =	sadd.s32 $0x88, s3;
	s6 =	simm.s32 @!p1 $0x1082;
	[sflag:s4] =	ssyncset.s32 $0xFFFFF086  }
0x25: {  	[simem:s6], [sflag:s4] =	dma.local [hbm:s3], $0xF7A  }
0x26: {  	[smem:$0x3F99] =	sst s1;
	(tag) =	ssettag s2;
	_ =	strace s9  }
0x27: {  	s1 =	sld [smem:$0x3FA9]  }
0x28: {  	s2 =	sld [smem:$0x3FAA]  }
0x29: {  	s4 =	sld [smem:$0x3FAC]  }
0x2a: {  	p0 =	seq.s32 s5, $0x0;
	s5 =	sld [smem:$0x3FAD]  }
0x2b: {  	s6 =	sld [smem:$0x3FAE]  }
0x2c: {  	s7 =	sld [smem:$0x3FAF]  }
0x2d: {  	s3 =	simm.s32 $0x108;
	s8 =	sld [smem:$0x3FB0]  }
0x2e: {  	s3 =	simm.s32 @!p0 $0x1082;
	s9 =	sld [smem:$0x3FB1]  }
0x2f: {  	lr =	sadd.s32 s0, s3;
	s0 =	sld [smem:$0x3FA8]  }
0x30: {  	s3 =	sld [smem:$0x3FAB]  }
0x31: {  	[smem:$0x3FB4] =	sst s10  }
0x32: {  	s10 =	sld [smem:$0x3FB2];
	_ =	sdelay $0x3  }
0x33: {  	p0 =	seq.s32 s10, $0x1;
	s10 =	sld [smem:$0x3FB4];
	_ =	sdelay $0x3  }
0x34: {  	[smem:$0x3FB4] =	sst s10  }
0x35: {  	s10 =	sld [smem:$0x3FB3];
	_ =	sdelay $0x3  }
0x36: {  	p1 =	seq.s32 s10, $0x1;
	s10 =	sld [smem:$0x3FB4];
	_ =	sdelay $0x3  }
0x37: {  	[smem:$0x3FB4] =	sst s10  }
0x38: {  	s10 =	sld [smem:$0x3FB5]  }
0x39: {  	_ = 	snop;
	(pc) =	sbr.ind lr, $3  }
0x3a: {  	_ = 	snop  }
0x3b: {  	_ = 	snop  }
0x3c: {  	p2 =	seq.s32 s10, $0x1;
	s10 =	sld [smem:$0x3FB4]  }
0x3d: {  	_ =	shalt  }
0x3e: {  	_ =	shalt  }
0x3f: {  	_ =	shalt  }
0x40: {  	_ =	shalt  }
0x41: {  	_ =	shalt  }
0x42: {  	_ =	shalt  }
0x43: {  	_ =	shalt  }
0x44: {  	_ =	shalt  }
0x45: {  	_ =	shalt  }
0x46: {  	_ =	shalt  }
0x47: {  	_ =	shalt  }
0x48: {  	_ =	shalt  }
0x49: {  	_ =	shalt  }
0x4a: {  	_ =	shalt  }
0x4b: {  	_ =	shalt  }
0x4c: {  	_ =	shalt  }
0x4d: {  	_ =	shalt  }
0x4e: {  	_ =	shalt  }
0x4f: {  	_ =	shalt  }
0x50: {  	_ =	shalt  }
0x51: {  	_ =	shalt  }
0x52: {  	_ =	shalt  }
0x53: {  	_ =	shalt  }
0x54: {  	_ =	shalt  }
0x55: {  	_ =	shalt  }
0x56: {  	_ =	shalt  }
0x57: {  	_ =	shalt  }
0x58: {  	_ =	shalt  }
0x59: {  	_ =	shalt  }
0x5a: {  	_ =	shalt  }
0x5b: {  	_ =	shalt  }
0x5c: {  	_ =	shalt  }
0x5d: {  	_ =	shalt  }
0x5e: {  	_ =	shalt  }
0x5f: {  	_ =	shalt  }
0x60: {  	_ =	shalt  }
0x61: {  	_ =	shalt  }
0x62: {  	_ =	shalt  }
0x63: {  	_ =	shalt  }
0x64: {  	_ =	shalt  }
0x65: {  	_ =	shalt  }
0x66: {  	_ =	shalt  }
0x67: {  	_ =	shalt  }
0x68: {  	_ =	shalt  }
0x69: {  	_ =	shalt  }
0x6a: {  	_ =	shalt  }
0x6b: {  	_ =	shalt  }
0x6c: {  	_ =	shalt  }
0x6d: {  	_ =	shalt  }
0x6e: {  	_ =	shalt  }
0x6f: {  	_ =	shalt  }
0x70: {  	_ =	shalt  }
0x71: {  	_ =	shalt  }
0x72: {  	_ =	shalt  }
0x73: {  	_ =	shalt  }
0x74: {  	_ =	shalt  }
0x75: {  	_ =	shalt  }
0x76: {  	_ =	shalt  }
0x77: {  	_ =	shalt  }
0x78: {  	_ =	shalt  }
0x79: {  	_ =	shalt  }
0x7a: {  	_ =	shalt  }
0x7b: {  	_ =	shalt  }
0x7c: {  	_ =	shalt  }
0x7d: {  	_ =	shalt  }
0x7e: {  	_ =	shalt  }
0x7f: {  	_ =	shalt  }
0x80: {  	_ =	shalt  }
0x81: {  	_ =	shalt  }
0x82: {  	_ =	shalt  }
0x83: {  	_ =	shalt  }
0x84: {  	_ =	shalt  }
0x85: {  	_ =	shalt  }
0x86: {  	_ =	shalt  }
0x87: {  	_ =	shalt  }
.Lfunc_end0:
.L_simem_size_0:
called_computation_lowered:
.L_overlay_start_0:
0x88: {  	s2 =	sld [smem:$0x3FD9]  }
0x89: {  	s3 =	sld [smem:$0x3FFE];
	_ =	sdelay $0x1  }
0x8a: {  	s1 =	srdreg.scid  }
0x8b: {  	s0 =	sand.u32 $0x1, s1  }
0x8c: {  	s16 =	sshll.u32 s0, $0xA;
	s2 =	sadd.s32 s3, s2  }
0x8d: {  	s2 =	sadd.s32 s2, s16  }
0x8e: {  	[smem:$0x3FC0] =	sst s2  }
0x8f: {  	_ = 	snop  }
0x90: {  	(tm) =	ssettm $0x1  }
0x91: {  	s17 =	sld [smem:$0x3FFB];
	_ =	sdelay $0x3  }
0x92: {  	_ =	strace s17  }
0x93: {  	s2 =	sld [smem:$0x3FFC];
	_ =	sdelay $0x3  }
0x94: {  	_ =	strace s2  }
0x95: {  	s2 =	sld [smem:$0x3FFD];
	_ =	sdelay $0x3  }
0x96: {  	_ =	strace s2  }
0x97: {  	_ =	strace $0x8FFFFFFF  }
0x98: {  	s18 =	sld [smem:$0x3FDB];
	_ =	sdelay $0x1  }
0x99: {  	s19 =	simm.s32 $_scs_section_size  }
0x9a: {  	s4 =	simm.s32 $_size__tile_overlayer_lowered;
	s5 =	simm.s32 $_tile_overlayer_lowered  }
0x9b: {  	s22 =	simm.s32 $0x1BFF;
	s21 =	sshll.u32 s5, $0x1;
	s2 =	sadd.s32 s19, s18  }
0x9c: {  	s6 =	simm.s32 $0x0;
	s20 =	sshll.u32 s4, $0x1;
	s4 =	sadd.s32 s21, s2  }
0x9d: {  	[timem:s6], [sflag:s22] =	dma.local [hbm:s4], s20  }
0x9e: {  	_ =	swait.ge [sflag:s22], s20  }
0x9f: {  	s3 =	ssub.s32 $0x0, s20;
	[sflag:s22] =	ssyncset.done $0x0  }
0xa0: {  	[sflag:s22] =	ssyncadd.s32 s3;
	_ =	sdelay $0x1  }
0xa1: {  	s23 =	simm.s32 $0x1B8B  }
0xa2: {  	_ =	swait.ge [sflag:s23], $0x1  }
0xa3: {  	[sflag:s23] =	ssyncset.done $0x0  }
0xa4: {  	s25 =	simm.s32 $0x1B8E;
	s24 =	sld [smem:$0x3FFE];
	[sflag:s23] =	ssyncadd.s32 $0xFFFFFFFF  }
0xa5: {  	s26 =	simm.s32 $execute0_lowered;
	[smem:$0x3FD2] =	sst s25  }
0xa6: {  	s4 =	sshll.u32 s26, $0x1;
	_ =	strace $0x80000046;
	[dreg:$0x1] =	wrdreg $0xFFFFFFFF  }
0xa7: {  	s28 =	simm.s32 $_size_execute0_lowered;
	s2 =	sadd.s32 s2, s4;
	[dreg:$0x0] =	wrdreg $0x0  }
0xa8: {  	s4 =	sshll.u32 s28, $0x1;
	[dreg:$0x2] =	wrdreg s2  }
0xa9: {  	[dreg:$0x3] =	wrdreg s4  }
0xaa: {  	[dreg:$0x4] =	wrdreg $0xC0  }
0xab: {  	_ =	task [dreg:s6], $0x5FFFF  }
0xac: {  	[dreg:$0x1] =	wrdreg $0xFFFFFFFF  }
0xad: {  	[dreg:$0x0] =	wrdreg $0x60  }
0xae: {  	[dreg:$0x2] =	wrdreg s24  }
0xaf: {  	[dreg:$0x3] =	wrdreg $0x29E00  }
0xb0: {  	[dreg:$0x4] =	wrdreg $0x9  }
0xb1: {  	_ =	task.clear_ibuf [dreg:s6], $0x5FFFF;
	_ =	strace $0x90000046  }
0xb2: {  	s29 =	simm.s32 $0x9;
	_ =	strace $0x80000048  }
0xb3: {  	_ =	swait.ge [sflag:s29], $0x1  }
0xb4: {  	[sflag:s29] =	ssyncadd.s32 $0xFFFFFFFF  }
0xb5: {  	_ =	strace $0x90000048  }
0xb6: {  	_ =	sfence  }
0xb7: {  	s30 =	sld [smem:$0x0];
	_ =	sdelay $0x2  }
0xb8: {  	s31 =	sshll.u32 s1, $0xD;
	s1 =	sshrl.u32 s1, $0x2  }
0xb9: {  	s3 =	sand.u32 $0x4000, s31;
	s1 =	sadd.s32 s1, s30  }
0xba: {  	s0 =	sor.u32 s3, s0;
	s1 =	sshll.u32 s1, $0x11  }
0xbb: {  	s0 =	sor.u32 s1, s0  }
0xbc: {  	s0 =	sadd.s32 $0x8F2B, s0  }
0xbd: {  	[sflag:s0] =	ssyncadd.remote.s32 $0x1  }
0xbe: {  	_ =	sfence.sel $0xFFFF  }
0xbf: {  	[dreg:$0x0] =	wrdreg $0xFFFFFFFF;
	(pc) =	sbr.abs _section_cstart, $3  }
0xc0: {  	[dreg:$0x1] =	wrdreg $0xFFFFFFFF  }
0xc1: {  	_ =	task.clear_ibuf [dreg:s6], $0x2FFFF;
	_ =	strace $0x9FFFFFFF  }
0xc2: {  	(tm) =	ssettm $0x7FFFFFFF  }
0xc3: {  	_ =	shalt  }
tec
execute0_lowered:
.L_overlay_start_1:
0x0: {  	(tag) =	ssettag $0x1  }
0x1: {  	s4 =	rddreg [dreg:$0x0];
	s0 =	srdreg.scid  }
0x2: {  	s2 =	rddreg [dreg:$0x1];
	s1 =	stileid.u32  }
0x3: {  	s3 =	simm.s32 $0x0;
	s10 =	simm.s32 $0x50;
	s11 =	simm.s32 $0x2710  }
0x4: {  	s12 =	simm.s32 $0xA0;
	s13 =	simm.s32 $0xF0;
	s14 =	simm.s32 $0x140  }
0x5: {  	s15 =	simm.s32 $0x190;
	s16 =	simm.s32 $0x1E0;
	s17 =	simm.s32 $0x230  }
0x6: {  	s18 =	simm.s32 $0x1;
	s5 =	sand.u32 $0x1, s0;
	s0 =	rddreg [dreg:$0x2]  }
0x7: {  	s21 =	simm.s32 $0x0;
	s7 =	smul.u32 $0x280, s1;
	[smem:$0x7FF] =	sst s3  }
0x8: {  	s19 =	sshll.u32 s1, $0x6;
	s6 =	sshll.u32 s5, $0x4;
	s8 =	smul.u32 $0x2800, s5  }
0x9: {  	_ =	strace $0x80000047;
	s5 =	ssub.s32 $0x2, s5;
	s6 =	sor.u32 s1, s6  }
0xa: {  	s9 =	sshrl.u32 s5, $0x1;
	s6 =	smul.u32 $0x4E2, s6;
	s8 =	sadd.s32 s7, s8  }
0xb: {  	s19 =	sor.u32 $0x1C02, s19;
	s9 =	ssub.s32 s5, s9;
	s8 =	sshrl.u32 s8, $0x3  }
0xc: {  	s6 =	sadd.s32 s6, s4;
	s8 =	sadd.s32 s8, s4;
	s4 =	sadd.s32 s7, s2  }
0xd: {  	s7 =	smax.u32 s9, $0x1;
	s9 =	simm.s32 $0x2;
	s5 =	sadd.s32 $0x1000, s6  }
0xe: {  	v0 =	vimm.f32 $1.000000000e+00;
	v1 =	vimm.f32 $0.0e+00;
	s6 =	sadd.s32 $0xAE00, s8;
	s8 =	simm.s32 $0x2760;
	s20 =	sshrl.u32 s4, $0x3  }
.LBB2_1:
0xf: {  	[tilespmem:$0x2710] =	vst v0  }
0x10: {  	[tilespmem:$0x2720] =	vst v0  }
0x11: {  	[tilespmem:$0x2730] =	vst v0  }
0x12: {  	[tilespmem:$0x2740] =	vst v0  }
0x13: {  	[tilespmem:$0x2750] =	vst v0  }
0x14: {  	[tilespmem:$0x2760] =	vst v1  }
0x15: {  	[tilespmem:$0x2770] =	vst v1  }
0x16: {  	[tilespmem:$0x2780] =	vst v1  }
0x17: {  	[tilespmem:$0x2790] =	vst v1  }
0x18: {  	[tilespmem:$0x27A0] =	vst v1  }
0x19: {  	[tilespmem:$0x27B0] =	vst v1  }
0x1a: {  	[tilespmem:$0x27C0] =	vst v1  }
0x1b: {  	[tilespmem:$0x27D0] =	vst v1  }
0x1c: {  	[tilespmem:$0x27E0] =	vst v1  }
0x1d: {  	[tilespmem:$0x27F0] =	vst v1  }
0x1e: {  	[tilespmem:$0x2800] =	vst v1  }
0x1f: {  	[tilespmem:$0x2810] =	vst v1  }
0x20: {  	[tilespmem:$0x2820] =	vst v1  }
0x21: {  	[tilespmem:$0x2830] =	vst v1  }
0x22: {  	[tilespmem:$0x2840] =	vst v1  }
0x23: {  	[tilespmem:$0x2850] =	vst v1  }
0x24: {  	[tilespmem:$0x2860] =	vst v1  }
0x25: {  	[tilespmem:$0x2870] =	vst v1  }
0x26: {  	[tilespmem:$0x2880] =	vst v1  }
0x27: {  	[tilespmem:$0x2890] =	vst v1  }
0x28: {  	[tilespmem:$0x28A0] =	vst v1  }
0x29: {  	[tilespmem:$0x28B0] =	vst v1  }
0x2a: {  	[tilespmem:$0x28C0] =	vst v1  }
0x2b: {  	[tilespmem:$0x28D0] =	vst v1  }
0x2c: {  	[tilespmem:$0x28E0] =	vst v1  }
0x2d: {  	[tilespmem:$0x28F0] =	vst v1  }
0x2e: {  	[tilespmem:$0x2900] =	vst v1  }
0x2f: {  	[tilespmem:$0x2910] =	vst v1  }
0x30: {  	[tilespmem:$0x2920] =	vst v1  }
0x31: {  	[tilespmem:$0x2930] =	vst v1  }
0x32: {  	[tilespmem:$0x2940] =	vst v1  }
0x33: {  	[tilespmem:$0x2950] =	vst v1  }
0x34: {  	[tilespmem:$0x2960] =	vst v1  }
0x35: {  	[tilespmem:$0x2970] =	vst v1  }
0x36: {  	[tilespmem:$0x2980] =	vst v1  }
0x37: {  	[tilespmem:$0x2990] =	vst v1  }
0x38: {  	[tilespmem:$0x29A0] =	vst v1  }
0x39: {  	[tilespmem:$0x29B0] =	vst v1  }
0x3a: {  	[tilespmem:$0x29C0] =	vst v1  }
0x3b: {  	[tilespmem:$0x29D0] =	vst v1  }
0x3c: {  	[spmem:s4] =	stream.linear.scatter [tilespmem:s8], [sflag:$0x2], $0x280, $0x38;
	[tilespmem:$0x2C60] =	vst v63  }
0x3d: {  	_ =	swait.ge [sflag:s9], $0x280  }
0x3e: {  	[sflag:s9] =	ssyncset.done $0x0  }
0x3f: {  	[sflag:s9] =	ssyncadd.s32 $0xFFFFFD80  }
0x40: {  	[bflag:$0x0] =	sbarrier.arrive $0xFFFF  }
0x41: {  	[tilespmem:s3], [sflag:$0x2] =	stream.linear.gather [hbm4b:s5+s3], $0x2710, $0x38;
	[tilespmem:$0x2C60] =	vst v63  }
0x42: {  	_ =	swait.ge [sflag:s9], $0x2710  }
0x43: {  	[sflag:s9] =	ssyncset.done $0x0  }
0x44: {  	[sflag:s9] =	ssyncadd.s32 $0xFFFFD8F0  }
0x45: {  	[spmem:s2] =	stream.indirect.scatter.add.f32 [tilespmem:s11], [sflag:$0x1], $0x1, s3, s10, $0xb8;
	[tilespmem:$0x2C60] =	vst v63  }
0x46: {  	_ = 	snop  }
0x47: {  	[spmem:s2] =	stream.indirect.scatter.add.f32 [tilespmem:s11], [sflag:$0x1], $0x1, s10, s10, $0xb8;
	[tilespmem:$0x2C60] =	vst v63  }
0x48: {  	_ = 	snop  }
0x49: {  	[spmem:s2] =	stream.indirect.scatter.add.f32 [tilespmem:s11], [sflag:$0x1], $0x1, s12, s10, $0xb8;
	[tilespmem:$0x2C60] =	vst v63  }
0x4a: {  	_ = 	snop  }
0x4b: {  	[spmem:s2] =	stream.indirect.scatter.add.f32 [tilespmem:s11], [sflag:$0x1], $0x1, s13, s10, $0xb8;
	[tilespmem:$0x2C60] =	vst v63  }
0x4c: {  	_ = 	snop  }
0x4d: {  	[spmem:s2] =	stream.indirect.scatter.add.f32 [tilespmem:s11], [sflag:$0x1], $0x1, s14, s10, $0xb8;
	[tilespmem:$0x2C60] =	vst v63  }
0x4e: {  	_ = 	snop  }
0x4f: {  	[spmem:s2] =	stream.indirect.scatter.add.f32 [tilespmem:s11], [sflag:$0x1], $0x1, s15, s10, $0xb8;
	[tilespmem:$0x2C60] =	vst v63  }
0x50: {  	_ = 	snop  }
0x51: {  	[spmem:s2] =	stream.indirect.scatter.add.f32 [tilespmem:s11], [sflag:$0x1], $0x1, s16, s10, $0xb8;
	[tilespmem:$0x2C60] =	vst v63  }
0x52: {  	_ = 	snop  }
0x53: {  	[spmem:s2] =	stream.indirect.scatter.add.f32 [tilespmem:s11], [sflag:$0x1], $0x1, s17, s10, $0xb8;
	[tilespmem:$0x2C60] =	vst v63  }
0x54: {  	_ =	swait.ge [sflag:s18], $0x50  }
0x55: {  	[sflag:s18] =	ssyncset.done $0x0  }
0x56: {  	s22 =	simm.s32 $0xB40;
	s23 =	simm.s32 $0x280;
	[sflag:s18] =	ssyncadd.s32 $0xFFFFFFB0  }
.LBB2_2:
0x57: {  	[spmem:s2] =	stream.indirect.scatter.add.f32 [tilespmem:s11], [sflag:$0x1], $0x1, s23, s10, $0xb8;
	[tilespmem:$0x2C60] =	vst v63  }
0x58: {  	s23 =	smov.u32 s22;
	p0 =	sne.s32 s22, $0x9B00  }
.Ltmp0:
0x59: {  	s22 =	sadd.s32 $0x140, s22;
	(pc) =	sbr.rel @p0 .LBB2_2-.Ltmp0, $4  }
0x5a: {  	_ = 	snop  }
0x5b: {  	_ =	swait.ge [sflag:s18], $0x50  }
0x5c: {  	[sflag:s18] =	ssyncset.done $0x0  }
0x5d: {  	s23 =	sshra.s32 s23, $0x2;
	[sflag:s18] =	ssyncadd.s32 $0xFFFFFFB0  }
0x5e: {  	[spmem:s2] =	stream.indirect.scatter.add.f32 [tilespmem:s11], [sflag:$0x1], $0x1, s23, s10, $0xb8;
	[tilespmem:$0x2C60] =	vst v63  }
0x5f: {  	_ =	swait.ge [sflag:s18], $0x50  }
0x60: {  	[sflag:s18] =	ssyncset.done $0x0  }
0x61: {  	[sflag:s18] =	ssyncadd.s32 $0xFFFFFFB0  }
0x62: {  	_ =	swait.ge [sflag:s18], $0x50  }
0x63: {  	[sflag:s18] =	ssyncset.done $0x0  }
0x64: {  	[sflag:s18] =	ssyncadd.s32 $0xFFFFFFB0  }
0x65: {  	_ =	swait.ge [sflag:s18], $0x50  }
0x66: {  	[sflag:s18] =	ssyncset.done $0x0  }
0x67: {  	[sflag:s18] =	ssyncadd.s32 $0xFFFFFFB0  }
0x68: {  	_ =	swait.ge [sflag:s18], $0x50  }
0x69: {  	[sflag:s18] =	ssyncset.done $0x0  }
0x6a: {  	[sflag:s18] =	ssyncadd.s32 $0xFFFFFFB0  }
0x6b: {  	_ =	swait.ge [sflag:s18], $0x50  }
0x6c: {  	[sflag:s18] =	ssyncset.done $0x0  }
0x6d: {  	[sflag:s18] =	ssyncadd.s32 $0xFFFFFFB0  }
0x6e: {  	_ =	swait.ge [sflag:s18], $0x50  }
0x6f: {  	[sflag:s18] =	ssyncset.done $0x0  }
0x70: {  	[sflag:s18] =	ssyncadd.s32 $0xFFFFFFB0  }
0x71: {  	_ =	swait.ge [sflag:s18], $0x50  }
0x72: {  	[sflag:s18] =	ssyncset.done $0x0  }
0x73: {  	[sflag:s18] =	ssyncadd.s32 $0xFFFFFFB0  }
0x74: {  	_ =	swait.ge [sflag:s18], $0x50  }
0x75: {  	s21 =	sadd.s32 $0x1, s21;
	[sflag:s18] =	ssyncset.done $0x0  }
0x76: {  	p0 =	sne.s32 s21, s7;
	[sflag:s18] =	ssyncadd.s32 $0xFFFFFFB0  }
.Ltmp1:
0x77: {  	[bflag:$0x0] =	sbarrier.arrive $0xFFFF;
	(pc) =	sbr.rel @p0 .LBB2_1-.Ltmp1, $4  }
0x78: {  	[hbm:s6], [sflag:s19] =	dma.local [spmem:s20], $0x50  }
0x79: {  	_ =	swait.ge [sflag:s9], $0x50  }
0x7a: {  	[sflag:s9] =	ssyncset.done $0x0  }
0x7b: {  	[sflag:s9] =	ssyncadd.s32 $0xFFFFFFB0  }
0x7c: {  	_ =	sfence.sel $0x180000  }
0x7d: {  	[bflag:$0x0] =	sbarrier.arrive $0xFFFF  }
0x7e: {  	p0 =	sne.s32 s1, $0x0;
	_ =	strace $0x90000047  }
0x7f: {  	s0 =	sadd.s32 @!p0 $0x100000, s0;
	[bflag:$0x2] =	sbarrier.arrive $0xFFFF  }
0x80: {  	[sflag:s0] =	ssyncadd.tile.s32 @!p0 $0x1;
	_ =	shalt  }
.Lfunc_end2:
_tile_overlayer_lowered:
.L_overlay_start_2:
0x81: {  	(tag) =	ssettag $0x2  }
0x82: {  	s0 =	rddreg [dreg:$0x0];
	s2 =	stileid.u32  }
0x83: {  	s1 =	rddreg [dreg:$0x1];
	p0 =	sne.s32 s2, $0x0  }
0x84: {  	s3 =	rddreg [dreg:$0x2];
	[bflag:$0x3] =	sbarrier.arrive $0xFFFF;
	s2 =	simm.s32 @!p0 $0x1C02  }
0x85: {  	[timem:s3], [sflag:s2] =	dma.local @!p0 [hbm:s0], s1  }
0x86: {  	s0 =	simm.s32 @!p0 $0x2  }
0x87: {  	_ =	swait.ge @!p0 [sflag:s0], s1  }
0x88: {  	s1 =	ssub.s32 @!p0 $0x0, s1;
	[sflag:s0] =	ssyncset.done @!p0 $0x0  }
0x89: {  	[sflag:s0] =	ssyncadd.s32 @!p0 s1  }
0x8a: {  	[bflag:$0x3] =	sbarrier.arrive $0xFFFF  }
0x8b: {  	_ =	shalt  }

// kernel: kernel.9.cloned.1.call-start
scs
__scs_entry_jumppad:
0x0: {  	(pc) =	sbr.rel $0x88, $3  }
0x1: {  	(tag) =	ssettag $0x0;
	lr =	simm.s32 $0x1  }
0x2: {  	[smem:$0x3F99] =	sst lr;
	_ =	strace $0xD0000000  }
0x3: {  	_ = 	snop  }
0x4: {  	_ = 	snop  }
0x5: {  	_ = 	snop  }
0x6: {  	_ = 	snop  }
0x7: {  	_ = 	snop  }
__scs_overlays_trampoline_lowered:
0x8: {  	[smem:$0x3FA8] =	sst s0  }
0x9: {  	[smem:$0x3FA9] =	sst s1  }
0xa: {  	[smem:$0x3FAA] =	sst s2  }
0xb: {  	[smem:$0x3FAB] =	sst s3  }
0xc: {  	[smem:$0x3FAC] =	sst s4  }
0xd: {  	[smem:$0x3FAD] =	sst s5  }
0xe: {  	[smem:$0x3FAE] =	sst s6  }
0xf: {  	[smem:$0x3FAF] =	sst s7  }
0x10: {  	[smem:$0x3FB0] =	sst s8  }
0x11: {  	[smem:$0x3FB1] =	sst s9;
	s0 =	simm.s32 @!p0 $0x0  }
0x12: {  	s1 =	sld [smem:$0x3F97];
	s0 =	simm.s32 @p0 $0x1  }
0x13: {  	[smem:$0x3FB2] =	sst s0;
	s0 =	simm.s32 @!p1 $0x0  }
0x14: {  	s2 =	sld [smem:$0x3F96];
	s0 =	simm.s32 @p1 $0x1  }
0x15: {  	[smem:$0x3FB3] =	sst s0;
	s0 =	simm.s32 @!p2 $0x0  }
0x16: {  	s3 =	sld [smem:$0x3FDB];
	s0 =	simm.s32 @p2 $0x1  }
0x17: {  	s4 =	simm.s32 $0x1BF5;
	[smem:$0x3FB5] =	sst s0  }
0x18: {  	s0 =	sld [smem:$0x3F98];
	_ =	swait.ge [sflag:s4], $0x0  }
0x19: {  	s7 =	sld [smem:$0x3F99]  }
0x1a: {  	s8 =	sadd.s32 $0xFFFFE003, lr  }
0x1b: {  	s9 =	sadd.s32 $0xFFFFFEF7, lr;
	s5 =	simm.s32 $0xFFFFFFFF;
	p2 =	slt.u32 s8, $0xFFFFF086  }
0x1c: {  	p1 =	slt.u32 s9, $0xF7A;
	s5 =	simm.s32 @!p2 $0x0  }
0x1d: {  	s5 =	simm.s32 @p1 $0x1;
	p0 =	seq.s32 s7, s2  }
0x1e: {  	s7 =	smul.u32 @!p0 $0xF7A, s2;
	p2 =	seq.s32 @!p0 s5, $0x0  }
0x1f: {  	s9 =	smul.u32 $0xF7A, s1;
	s8 =	simm.s32 @!p0 $0x1BF5;
	p2 =	por !p2, p0  }
0x20: {  	[sflag:s8] =	ssyncset.s32 @!p0 $0xFFFFF086;
	s6 =	sadd.s32 @!p0 s3, s7;
	s7 =	simm.s32 @!p0 $0x108  }
0x21: {  	s3 =	sadd.s32 s3, s9;
	s6 =	sadd.s32 @!p0 $0x88, s6;
	s7 =	simm.s32 @p2 $0x1082  }
0x22: {  	[simem:s7], [sflag:s8] =	dma.local @!p0 [hbm:s6], $0xF7A  }
0x23: {  	s9 =	sor.u32 $0xD0000000, s2;
	s6 =	simm.s32 $0x108;
	_ =	swait.ge @!p0 [sflag:s8], $0x0  }
0x24: {  	s3 =	sadd.s32 $0x88, s3;
	s6 =	simm.s32 @!p1 $0x1082;
	[sflag:s4] =	ssyncset.s32 $0xFFFFF086  }
0x25: {  	[simem:s6], [sflag:s4] =	dma.local [hbm:s3], $0xF7A  }
0x26: {  	[smem:$0x3F99] =	sst s1;
	(tag) =	ssettag s2;
	_ =	strace s9  }
0x27: {  	s1 =	sld [smem:$0x3FA9]  }
0x28: {  	s2 =	sld [smem:$0x3FAA]  }
0x29: {  	s4 =	sld [smem:$0x3FAC]  }
0x2a: {  	p0 =	seq.s32 s5, $0x0;
	s5 =	sld [smem:$0x3FAD]  }
0x2b: {  	s6 =	sld [smem:$0x3FAE]  }
0x2c: {  	s7 =	sld [smem:$0x3FAF]  }
0x2d: {  	s3 =	simm.s32 $0x108;
	s8 =	sld [smem:$0x3FB0]  }
0x2e: {  	s3 =	simm.s32 @!p0 $0x1082;
	s9 =	sld [smem:$0x3FB1]  }
0x2f: {  	lr =	sadd.s32 s0, s3;
	s0 =	sld [smem:$0x3FA8]  }
0x30: {  	s3 =	sld [smem:$0x3FAB]  }
0x31: {  	[smem:$0x3FB4] =	sst s10  }
0x32: {  	s10 =	sld [smem:$0x3FB2];
	_ =	sdelay $0x3  }
0x33: {  	p0 =	seq.s32 s10, $0x1;
	s10 =	sld [smem:$0x3FB4];
	_ =	sdelay $0x3  }
0x34: {  	[smem:$0x3FB4] =	sst s10  }
0x35: {  	s10 =	sld [smem:$0x3FB3];
	_ =	sdelay $0x3  }
0x36: {  	p1 =	seq.s32 s10, $0x1;
	s10 =	sld [smem:$0x3FB4];
	_ =	sdelay $0x3  }
0x37: {  	[smem:$0x3FB4] =	sst s10  }
0x38: {  	s10 =	sld [smem:$0x3FB5]  }
0x39: {  	_ = 	snop;
	(pc) =	sbr.ind lr, $3  }
0x3a: {  	_ = 	snop  }
0x3b: {  	_ = 	snop  }
0x3c: {  	p2 =	seq.s32 s10, $0x1;
	s10 =	sld [smem:$0x3FB4]  }
0x3d: {  	_ =	shalt  }
0x3e: {  	_ =	shalt  }
0x3f: {  	_ =	shalt  }
0x40: {  	_ =	shalt  }
0x41: {  	_ =	shalt  }
0x42: {  	_ =	shalt  }
0x43: {  	_ =	shalt  }
0x44: {  	_ =	shalt  }
0x45: {  	_ =	shalt  }
0x46: {  	_ =	shalt  }
0x47: {  	_ =	shalt  }
0x48: {  	_ =	shalt  }
0x49: {  	_ =	shalt  }
0x4a: {  	_ =	shalt  }
0x4b: {  	_ =	shalt  }
0x4c: {  	_ =	shalt  }
0x4d: {  	_ =	shalt  }
0x4e: {  	_ =	shalt  }
0x4f: {  	_ =	shalt  }
0x50: {  	_ =	shalt  }
0x51: {  	_ =	shalt  }
0x52: {  	_ =	shalt  }
0x53: {  	_ =	shalt  }
0x54: {  	_ =	shalt  }
0x55: {  	_ =	shalt  }
0x56: {  	_ =	shalt  }
0x57: {  	_ =	shalt  }
0x58: {  	_ =	shalt  }
0x59: {  	_ =	shalt  }
0x5a: {  	_ =	shalt  }
0x5b: {  	_ =	shalt  }
0x5c: {  	_ =	shalt  }
0x5d: {  	_ =	shalt  }
0x5e: {  	_ =	shalt  }
0x5f: {  	_ =	shalt  }
0x60: {  	_ =	shalt  }
0x61: {  	_ =	shalt  }
0x62: {  	_ =	shalt  }
0x63: {  	_ =	shalt  }
0x64: {  	_ =	shalt  }
0x65: {  	_ =	shalt  }
0x66: {  	_ =	shalt  }
0x67: {  	_ =	shalt  }
0x68: {  	_ =	shalt  }
0x69: {  	_ =	shalt  }
0x6a: {  	_ =	shalt  }
0x6b: {  	_ =	shalt  }
0x6c: {  	_ =	shalt  }
0x6d: {  	_ =	shalt  }
0x6e: {  	_ =	shalt  }
0x6f: {  	_ =	shalt  }
0x70: {  	_ =	shalt  }
0x71: {  	_ =	shalt  }
0x72: {  	_ =	shalt  }
0x73: {  	_ =	shalt  }
0x74: {  	_ =	shalt  }
0x75: {  	_ =	shalt  }
0x76: {  	_ =	shalt  }
0x77: {  	_ =	shalt  }
0x78: {  	_ =	shalt  }
0x79: {  	_ =	shalt  }
0x7a: {  	_ =	shalt  }
0x7b: {  	_ =	shalt  }
0x7c: {  	_ =	shalt  }
0x7d: {  	_ =	shalt  }
0x7e: {  	_ =	shalt  }
0x7f: {  	_ =	shalt  }
0x80: {  	_ =	shalt  }
0x81: {  	_ =	shalt  }
0x82: {  	_ =	shalt  }
0x83: {  	_ =	shalt  }
0x84: {  	_ =	shalt  }
0x85: {  	_ =	shalt  }
0x86: {  	_ =	shalt  }
0x87: {  	_ =	shalt  }
.Lfunc_end0:
.L_simem_size_0:
called_computation.1_lowered:
.L_overlay_start_0:
0x88: {  	s2 =	sld [smem:$0x3FD9]  }
0x89: {  	s3 =	sld [smem:$0x3FFE];
	_ =	sdelay $0x1  }
0x8a: {  	s1 =	srdreg.scid  }
0x8b: {  	s0 =	sand.u32 $0x1, s1  }
0x8c: {  	s17 =	sshll.u32 s0, $0xA;
	s2 =	sadd.s32 s3, s2  }
0x8d: {  	s2 =	sadd.s32 s2, s17  }
0x8e: {  	[smem:$0x3FC0] =	sst s2  }
0x8f: {  	_ = 	snop  }
0x90: {  	s2 =	sld [smem:$0x3FD0];
	(tm) =	ssettm $0x1  }
0x91: {  	s18 =	sld [smem:$0x3FFB];
	_ =	sdelay $0x3  }
0x92: {  	_ =	strace s18  }
0x93: {  	s3 =	sld [smem:$0x3FFC];
	_ =	sdelay $0x3  }
0x94: {  	_ =	strace s3  }
0x95: {  	s3 =	sld [smem:$0x3FFD];
	_ =	sdelay $0x3  }
0x96: {  	_ =	strace s3  }
0x97: {  	_ =	strace $0x8FFFFFFF  }
0x98: {  	s19 =	sld [smem:$0x3FDB];
	_ =	sdelay $0x1  }
0x99: {  	s4 =	simm.s32 $_scs_section_size  }
0x9a: {  	s5 =	simm.s32 $_size__tile_overlayer_lowered;
	s6 =	simm.s32 $_tile_overlayer_lowered  }
0x9b: {  	s22 =	simm.s32 $0x1BFF;
	s21 =	sshll.u32 s6, $0x1;
	s3 =	sadd.s32 s4, s19  }
0x9c: {  	s7 =	simm.s32 $0x0;
	s20 =	sshll.u32 s5, $0x1;
	s5 =	sadd.s32 s21, s3  }
0x9d: {  	[timem:s7], [sflag:s22] =	dma.local [hbm:s5], s20  }
0x9e: {  	_ =	swait.ge [sflag:s22], s20  }
0x9f: {  	s4 =	ssub.s32 $0x0, s20;
	[sflag:s22] =	ssyncset.done $0x0  }
0xa0: {  	[sflag:s22] =	ssyncadd.s32 s4;
	_ =	sdelay $0x1  }
0xa1: {  	s23 =	simm.s32 $0x1B8B  }
0xa2: {  	_ =	swait.ge [sflag:s23], $0x1  }
0xa3: {  	[sflag:s23] =	ssyncset.done $0x0  }
0xa4: {  	s25 =	simm.s32 $0x1B8E;
	s24 =	sld [smem:$0x3FFE];
	[sflag:s23] =	ssyncadd.s32 $0xFFFFFFFF  }
0xa5: {  	s26 =	simm.s32 $execute0_lowered;
	[smem:$0x3FD2] =	sst s25  }
0xa6: {  	s5 =	sshll.u32 s26, $0x1;
	_ =	strace $0x80000049;
	[dreg:$0x1] =	wrdreg $0xFFFFFFFF  }
0xa7: {  	s28 =	simm.s32 $_size_execute0_lowered;
	s3 =	sadd.s32 s3, s5;
	[dreg:$0x0] =	wrdreg $0x0  }
0xa8: {  	s5 =	sshll.u32 s28, $0x1;
	[dreg:$0x2] =	wrdreg s3  }
0xa9: {  	[dreg:$0x3] =	wrdreg s5  }
0xaa: {  	[dreg:$0x4] =	wrdreg $0xC0  }
0xab: {  	_ =	task [dreg:s7], $0x5FFFF  }
0xac: {  	[dreg:$0x1] =	wrdreg $0xFFFFFFFF  }
0xad: {  	[dreg:$0x0] =	wrdreg $0x60  }
0xae: {  	[dreg:$0x2] =	wrdreg s2  }
0xaf: {  	[dreg:$0x3] =	wrdreg s24  }
0xb0: {  	[dreg:$0x4] =	wrdreg $0x12D000  }
0xb1: {  	[dreg:$0x5] =	wrdreg $0x9  }
0xb2: {  	_ =	task.clear_ibuf [dreg:s7], $0x6FFFF;
	_ =	strace $0x90000049  }
0xb3: {  	s29 =	simm.s32 $0x9;
	_ =	strace $0x8000004B  }
0xb4: {  	_ =	swait.ge [sflag:s29], $0x1  }
0xb5: {  	[sflag:s29] =	ssyncadd.s32 $0xFFFFFFFF  }
0xb6: {  	_ =	strace $0x9000004B  }
0xb7: {  	_ =	sfence  }
0xb8: {  	s30 =	sld [smem:$0x0];
	_ =	sdelay $0x2  }
0xb9: {  	s31 =	sshll.u32 s1, $0xD;
	s1 =	sshrl.u32 s1, $0x2  }
0xba: {  	s3 =	sand.u32 $0x4000, s31;
	s1 =	sadd.s32 s1, s30  }
0xbb: {  	s0 =	sor.u32 s3, s0;
	s1 =	sshll.u32 s1, $0x11  }
0xbc: {  	s0 =	sor.u32 s1, s0  }
0xbd: {  	s0 =	sadd.s32 $0x8F2B, s0  }
0xbe: {  	[sflag:s0] =	ssyncadd.remote.s32 $0x1  }
0xbf: {  	_ =	sfence.sel $0xFFFF  }
0xc0: {  	[dreg:$0x0] =	wrdreg $0xFFFFFFFF;
	(pc) =	sbr.abs _section_cstart, $3  }
0xc1: {  	[dreg:$0x1] =	wrdreg $0xFFFFFFFF  }
0xc2: {  	_ =	task.clear_ibuf [dreg:s7], $0x2FFFF;
	_ =	strace $0x9FFFFFFF  }
0xc3: {  	(tm) =	ssettm $0x7FFFFFFF  }
tec
execute0_lowered:
.L_overlay_start_1:
0x0: {  	(tag) =	ssettag $0x1  }
0x1: {  	s0 =	rddreg [dreg:$0x0]  }
0x2: {  	s1 =	rddreg [dreg:$0x1]  }
0x3: {  	s2 =	rddreg [dreg:$0x2]  }
0x4: {  	s3 =	stileid.u32;
	s4 =	srdreg.scid;
	s14 =	simm.s32 $0x0  }
0x5: {  	s15 =	simm.s32 $0x11;
	s17 =	simm.s32 $0x7D;
	s29 =	simm.s32 $0xEE20  }
0x6: {  	s31 =	simm.s32 $0xFDC0;
	s16 =	simm.s32 $0x10D60;
	s28 =	simm.s32 $0x6  }
0x7: {  	s30 =	simm.s32 $0x7;
	s11 =	simm.s32 $0xE;
	s12 =	simm.s32 $0xF  }
0x8: {  	s13 =	simm.s32 $0x10;
	s5 =	smul.u32 $0x5000, s3;
	s6 =	sand.u32 $0x1, s4  }
0x9: {  	s7 =	smul.u32 $0x14000, s3;
	[smem:$0x7FF] =	sst s14;
	s4 =	sshll.u32 s6, $0x6  }
0xa: {  	_ =	strace $0x8000004A;
	s10 =	smul.u32 $0x50000, s6;
	s6 =	ssub.s32 $0x2, s6  }
0xb: {  	s8 =	sshrl.u32 s5, $0x3;
	s4 =	sor.u32 s4, s7;
	s18 =	sshrl.u32 s6, $0x1  }
0xc: {  	s7 =	sshrl.u32 s7, $0x2;
	s8 =	sadd.s32 s8, s1;
	s9 =	sshrl.u32 s4, $0x4  }
0xd: {  	s4 =	sadd.s32 $0x15800, s1;
	s5 =	sadd.s32 s5, s10;
	s6 =	ssub.s32 s6, s18  }
0xe: {  	s19 =	sadd.s32 s7, s2;
	s18 =	simm.s32 $0xA000;
	s7 =	simm.s32 $0xA  }
0xf: {  	s10 =	simm.s32 $0xD;
	s1 =	sadd.s32 s9, s1;
	s5 =	sshrl.u32 s5, $0x3  }
0x10: {  	s20 =	sadd.s32 $0xB800, s8;
	s22 =	smax.u32 s6, $0x1;
	[dreg:$0x5] =	wrdreg s19  }
0x11: {  	s23 =	sadd.s32 $0x1000, s19;
	s24 =	sadd.s32 $0x2000, s19;
	[dreg:$0x7] =	wrdreg s20  }
0x12: {  	s25 =	sadd.s32 $0x3000, s19;
	s26 =	sadd.s32 $0x4000, s19;
	[dreg:$0x9] =	wrdreg s22  }
0x13: {  	s19 =	simm.s32 $0x2;
	s6 =	simm.s32 $0x9;
	[dreg:$0xa] =	wrdreg s23  }
0x14: {  	s8 =	simm.s32 $0xB;
	s9 =	simm.s32 $0xC;
	[dreg:$0xb] =	wrdreg s24  }
0x15: {  	s0 =	sadd.s32 s0, s5;
	s21 =	sadd.s32 $0x29200, s1;
	[dreg:$0xc] =	wrdreg s25  }
0x16: {  	[dreg:$0xd] =	wrdreg s26;
	s20 =	simm.s32 $0xAFA0;
	s22 =	simm.s32 $0xBF40  }
0x17: {  	s24 =	simm.s32 $0xCEE0;
	s26 =	simm.s32 $0xDE80;
	s1 =	simm.s32 $0x1  }
0x18: {  	s23 =	simm.s32 $0x4;
	s25 =	simm.s32 $0x5;
	[dreg:$0x6] =	wrdreg s0  }
0x19: {  	v0 =	vimm.bf16 $0.0e+00;
	[dreg:$0x8] =	wrdreg s21;
	s21 =	simm.s32 $0x3;
	s0 =	simm.s32 $0x8  }
.LBB2_1:
0x1a: {  	s3 =	simm.s32 $0x11D00  }
0x1b: {  	[dreg:$0x4] =	wrdreg s14;
	s5 =	simm.s32 $0x1;
	s14 =	simm.s32 $0x11D00;
	[tilespmem:s3+$0x0] =	vst v0  }
.LBB2_2:
0x1c: {  	p0 =	sne.s32 s5, $0xFF  }
.Ltmp0:
0x1d: {  	_ = 	snop;
	(pc) =	sbr.rel @p0 .LBB2_2-.Ltmp0, $3  }
0x1e: {  	_ =	sdelay $0x1  }
0x1f: {  	s5 =	sadd.s32 $0x1, s5;
	s14 =	sadd.s32 $0x10, s14  }
0x20: {  	[tilespmem:s14+$0x0] =	vst v0  }
0x21: {  	s3 =	rddreg [dreg:$0x5];
	s5 =	simm.s32 $0x11D00  }
0x22: {  	[spmem:s3] =	stream.linear.scatter [tilespmem:s5], [sflag:$0x11], $0x1000, $0x38;
	[tilespmem:$0x17D00] =	vst v63  }
0x23: {  	_ =	swait.ge [sflag:s15], $0x1000  }
0x24: {  	[sflag:s15] =	ssyncset.done $0x0  }
0x25: {  	s14 =	rddreg [dreg:$0xa];
	[sflag:s15] =	ssyncadd.s32 $0xFFFFF000  }
0x26: {  	[spmem:s14] =	stream.linear.scatter [tilespmem:s5], [sflag:$0x11], $0x1000, $0x38;
	[tilespmem:$0x17D00] =	vst v63  }
0x27: {  	_ =	swait.ge [sflag:s15], $0x1000  }
0x28: {  	[sflag:s15] =	ssyncset.done $0x0  }
0x29: {  	s14 =	rddreg [dreg:$0xb];
	[sflag:s15] =	ssyncadd.s32 $0xFFFFF000  }
0x2a: {  	[spmem:s14] =	stream.linear.scatter [tilespmem:s5], [sflag:$0x11], $0x1000, $0x38;
	[tilespmem:$0x17D00] =	vst v63  }
0x2b: {  	_ =	swait.ge [sflag:s15], $0x1000  }
0x2c: {  	[sflag:s15] =	ssyncset.done $0x0  }
0x2d: {  	s14 =	rddreg [dreg:$0xc];
	[sflag:s15] =	ssyncadd.s32 $0xFFFFF000  }
0x2e: {  	[spmem:s14] =	stream.linear.scatter [tilespmem:s5], [sflag:$0x11], $0x1000, $0x38;
	[tilespmem:$0x17D00] =	vst v63  }
0x2f: {  	_ =	swait.ge [sflag:s15], $0x1000  }
0x30: {  	[sflag:s15] =	ssyncset.done $0x0  }
0x31: {  	s14 =	rddreg [dreg:$0xd];
	[sflag:s15] =	ssyncadd.s32 $0xFFFFF000  }
0x32: {  	[spmem:s14] =	stream.linear.scatter [tilespmem:s5], [sflag:$0x11], $0x1000, $0x38;
	[tilespmem:$0x17D00] =	vst v63  }
0x33: {  	_ =	swait.ge [sflag:s15], $0x1000  }
0x34: {  	[sflag:s15] =	ssyncset.done $0x0  }
0x35: {  	[sflag:s15] =	ssyncadd.s32 $0xFFFFF000  }
0x36: {  	[bflag:$0x0] =	sbarrier.arrive $0xFFFF  }
0x37: {  	s5 =	simm.s32 $0x0;
	s14 =	rddreg [dreg:$0x6]  }
0x38: {  	[tilespmem:s5], [sflag:$0x11] =	stream.linear.gather [hbm4b:s14+s5], $0x5000, $0x38;
	[tilespmem:$0x17D00] =	vst v63  }
0x39: {  	_ =	swait.ge [sflag:s15], $0x5000  }
0x3a: {  	[sflag:s15] =	ssyncset.done $0x0  }
0x3b: {  	s14 =	simm.s32 $0x5000;
	s3 =	rddreg [dreg:$0x7];
	[sflag:s15] =	ssyncadd.s32 $0xFFFFB000  }
0x3c: {  	[tilespmem:s14], [sflag:$0x11] =	stream.linear.gather [hbm4b:s3+s5], $0x5000, $0x38;
	[tilespmem:$0x17D00] =	vst v63  }
0x3d: {  	_ =	swait.ge [sflag:s15], $0x5000  }
0x3e: {  	[sflag:s15] =	ssyncset.done $0x0  }
0x3f: {  	[sflag:s15] =	ssyncadd.s32 $0xFFFFB000  }
0x40: {  	[tilespmem:s18], [sflag:$0x1] =	stream.indirect.gather [hbm4b:s4+s17], $0x20, s5, s17, $0xb8;
	[tilespmem:$0x17D00] =	vst v63  }
0x41: {  	s5 =	simm.s32 $0x80  }
0x42: {  	[tilespmem:s20], [sflag:$0x2] =	stream.indirect.gather [hbm4b:s4+s17], $0x20, s5, s17, $0xb8;
	[tilespmem:$0x17D00] =	vst v63  }
0x43: {  	s14 =	simm.s32 $0x100  }
0x44: {  	[tilespmem:s22], [sflag:$0x3] =	stream.indirect.gather [hbm4b:s4+s17], $0x20, s14, s17, $0xb8;
	[tilespmem:$0x17D00] =	vst v63  }
0x45: {  	s5 =	simm.s32 $0x180  }
0x46: {  	[tilespmem:s24], [sflag:$0x4] =	stream.indirect.gather [hbm4b:s4+s17], $0x20, s5, s17, $0xb8;
	[tilespmem:$0x17D00] =	vst v63  }
0x47: {  	s14 =	simm.s32 $0x200  }
0x48: {  	[tilespmem:s26], [sflag:$0x5] =	stream.indirect.gather [hbm4b:s4+s17], $0x20, s14, s17, $0xb8;
	[tilespmem:$0x17D00] =	vst v63  }
0x49: {  	s5 =	simm.s32 $0x280  }
0x4a: {  	[tilespmem:s29], [sflag:$0x6] =	stream.indirect.gather [hbm4b:s4+s17], $0x20, s5, s17, $0xb8;
	[tilespmem:$0x17D00] =	vst v63  }
0x4b: {  	s14 =	simm.s32 $0x300  }
0x4c: {  	[tilespmem:s31], [sflag:$0x7] =	stream.indirect.gather [hbm4b:s4+s17], $0x20, s14, s17, $0xb8;
	[tilespmem:$0x17D00] =	vst v63  }
0x4d: {  	s5 =	simm.s32 $0x380  }
0x4e: {  	[tilespmem:s16], [sflag:$0x8] =	stream.indirect.gather [hbm4b:s4+s17], $0x20, s5, s17, $0xb8;
	[tilespmem:$0x17D00] =	vst v63  }
0x4f: {  	_ =	swait.ge [sflag:s1], $0xFA0  }
0x50: {  	[sflag:s1] =	ssyncset.done $0x0  }
0x51: {  	s14 =	simm.s32 $0x5000;
	[sflag:s1] =	ssyncadd.s32 $0xFFFFF060  }
0x52: {  	[spmem:s2] =	stream.indirect.scatter.add.bf16 [tilespmem:s18], [sflag:$0x9], $0x20, s14, s17, $0xb8;
	[tilespmem:$0x17D00] =	vst v63  }
0x53: {  	_ =	swait.ge [sflag:s19], $0xFA0  }
0x54: {  	[sflag:s19] =	ssyncset.done $0x0  }
0x55: {  	s3 =	simm.s32 $0x5080;
	[sflag:s19] =	ssyncadd.s32 $0xFFFFF060  }
0x56: {  	[spmem:s2] =	stream.indirect.scatter.add.bf16 [tilespmem:s20], [sflag:$0xA], $0x20, s3, s17, $0xb8;
	[tilespmem:$0x17D00] =	vst v63  }
0x57: {  	_ =	swait.ge [sflag:s21], $0xFA0  }
0x58: {  	[sflag:s21] =	ssyncset.done $0x0  }
0x59: {  	s14 =	simm.s32 $0x5100;
	[sflag:s21] =	ssyncadd.s32 $0xFFFFF060  }
0x5a: {  	[spmem:s2] =	stream.indirect.scatter.add.bf16 [tilespmem:s22], [sflag:$0xB], $0x20, s14, s17, $0xb8;
	[tilespmem:$0x17D00] =	vst v63  }
0x5b: {  	_ =	swait.ge [sflag:s23], $0xFA0  }
0x5c: {  	[sflag:s23] =	ssyncset.done $0x0  }
0x5d: {  	s3 =	simm.s32 $0x5180;
	[sflag:s23] =	ssyncadd.s32 $0xFFFFF060  }
0x5e: {  	[spmem:s2] =	stream.indirect.scatter.add.bf16 [tilespmem:s24], [sflag:$0xC], $0x20, s3, s17, $0xb8;
	[tilespmem:$0x17D00] =	vst v63  }
0x5f: {  	_ =	swait.ge [sflag:s25], $0xFA0  }
0x60: {  	[sflag:s25] =	ssyncset.done $0x0  }
0x61: {  	s14 =	simm.s32 $0x5200;
	[sflag:s25] =	ssyncadd.s32 $0xFFFFF060  }
0x62: {  	[spmem:s2] =	stream.indirect.scatter.add.bf16 [tilespmem:s26], [sflag:$0xD], $0x20, s14, s17, $0xb8;
	[tilespmem:$0x17D00] =	vst v63  }
0x63: {  	_ =	swait.ge [sflag:s28], $0xFA0  }
0x64: {  	[sflag:s28] =	ssyncset.done $0x0  }
0x65: {  	s3 =	simm.s32 $0x5280;
	[sflag:s28] =	ssyncadd.s32 $0xFFFFF060  }
0x66: {  	[spmem:s2] =	stream.indirect.scatter.add.bf16 [tilespmem:s29], [sflag:$0xE], $0x20, s3, s17, $0xb8;
	[tilespmem:$0x17D00] =	vst v63  }
0x67: {  	_ =	swait.ge [sflag:s30], $0xFA0  }
0x68: {  	[sflag:s30] =	ssyncset.done $0x0  }
0x69: {  	s14 =	simm.s32 $0x5300;
	[sflag:s30] =	ssyncadd.s32 $0xFFFFF060  }
0x6a: {  	[spmem:s2] =	stream.indirect.scatter.add.bf16 [tilespmem:s31], [sflag:$0xF], $0x20, s14, s17, $0xb8;
	[tilespmem:$0x17D00] =	vst v63  }
0x6b: {  	_ =	swait.ge [sflag:s0], $0xFA0  }
0x6c: {  	[sflag:s0] =	ssyncset.done $0x0  }
0x6d: {  	s3 =	simm.s32 $0x5380;
	[sflag:s0] =	ssyncadd.s32 $0xFFFFF060  }
0x6e: {  	[spmem:s2] =	stream.indirect.scatter.add.bf16 [tilespmem:s16], [sflag:$0x10], $0x20, s3, s17, $0xb8;
	[tilespmem:$0x17D00] =	vst v63  }
0x6f: {  	_ =	swait.ge [sflag:s6], $0xFA0  }
0x70: {  	[sflag:s6] =	ssyncset.done $0x0  }
0x71: {  	s14 =	simm.s32 $0x400;
	[sflag:s6] =	ssyncadd.s32 $0xFFFFF060  }
0x72: {  	[tilespmem:s18], [sflag:$0x1] =	stream.indirect.gather [hbm4b:s4+s17], $0x20, s14, s17, $0xb8;
	[tilespmem:$0x17D00] =	vst v63  }
0x73: {  	_ =	swait.ge [sflag:s7], $0xFA0  }
0x74: {  	[sflag:s7] =	ssyncset.done $0x0  }
0x75: {  	s3 =	simm.s32 $0x480;
	[sflag:s7] =	ssyncadd.s32 $0xFFFFF060  }
0x76: {  	[tilespmem:s20], [sflag:$0x2] =	stream.indirect.gather [hbm4b:s4+s17], $0x20, s3, s17, $0xb8;
	[tilespmem:$0x17D00] =	vst v63  }
0x77: {  	_ =	swait.ge [sflag:s8], $0xFA0  }
0x78: {  	[sflag:s8] =	ssyncset.done $0x0  }
0x79: {  	s14 =	simm.s32 $0x500;
	[sflag:s8] =	ssyncadd.s32 $0xFFFFF060  }
0x7a: {  	[tilespmem:s22], [sflag:$0x3] =	stream.indirect.gather [hbm4b:s4+s17], $0x20, s14, s17, $0xb8;
	[tilespmem:$0x17D00] =	vst v63  }
0x7b: {  	_ =	swait.ge [sflag:s9], $0xFA0  }
0x7c: {  	[sflag:s9] =	ssyncset.done $0x0  }
0x7d: {  	s3 =	simm.s32 $0x580;
	[sflag:s9] =	ssyncadd.s32 $0xFFFFF060  }
0x7e: {  	[tilespmem:s24], [sflag:$0x4] =	stream.indirect.gather [hbm4b:s4+s17], $0x20, s3, s17, $0xb8;
	[tilespmem:$0x17D00] =	vst v63  }
0x7f: {  	_ =	swait.ge [sflag:s10], $0xFA0  }
0x80: {  	[sflag:s10] =	ssyncset.done $0x0  }
0x81: {  	s14 =	simm.s32 $0x600;
	[sflag:s10] =	ssyncadd.s32 $0xFFFFF060  }
0x82: {  	[tilespmem:s26], [sflag:$0x5] =	stream.indirect.gather [hbm4b:s4+s17], $0x20, s14, s17, $0xb8;
	[tilespmem:$0x17D00] =	vst v63  }
0x83: {  	_ =	swait.ge [sflag:s11], $0xFA0  }
0x84: {  	[sflag:s11] =	ssyncset.done $0x0  }
0x85: {  	s3 =	simm.s32 $0x680;
	[sflag:s11] =	ssyncadd.s32 $0xFFFFF060  }
0x86: {  	[tilespmem:s29], [sflag:$0x6] =	stream.indirect.gather [hbm4b:s4+s17], $0x20, s3, s17, $0xb8;
	[tilespmem:$0x17D00] =	vst v63  }
0x87: {  	_ =	swait.ge [sflag:s12], $0xFA0  }
0x88: {  	[sflag:s12] =	ssyncset.done $0x0  }
0x89: {  	s14 =	simm.s32 $0x700;
	[sflag:s12] =	ssyncadd.s32 $0xFFFFF060  }
0x8a: {  	[tilespmem:s31], [sflag:$0x7] =	stream.indirect.gather [hbm4b:s4+s17], $0x20, s14, s17, $0xb8;
	[tilespmem:$0x17D00] =	vst v63  }
0x8b: {  	_ =	swait.ge [sflag:s13], $0xFA0  }
0x8c: {  	[sflag:s13] =	ssyncset.done $0x0  }
0x8d: {  	s5 =	simm.s32 $0x1000;
	s14 =	simm.s32 $0x780;
	[sflag:s13] =	ssyncadd.s32 $0xFFFFF060  }
.LBB2_4:
0x8e: {  	[tilespmem:s16], [sflag:$0x8] =	stream.indirect.gather [hbm4b:s4+s17], $0x20, s14, s17, $0xb8;
	[tilespmem:$0x17D00] =	vst v63  }
0x8f: {  	s14 =	smov.u32 s5  }
0x90: {  	p0 =	sne.s32 s5, $0x12000;
	s5 =	sadd.s32 $0x1000, s5;
	_ =	swait.ge [sflag:s1], $0xFA0  }
0x91: {  	s14 =	sshra.s32 s14, $0x2;
	[sflag:s1] =	ssyncset.done $0x0  }
0x92: {  	s3 =	sadd.s32 $0x5000, s14;
	[sflag:s1] =	ssyncadd.s32 $0xFFFFF060  }
0x93: {  	[spmem:s2] =	stream.indirect.scatter.add.bf16 [tilespmem:s18], [sflag:$0x9], $0x20, s3, s17, $0xb8;
	[tilespmem:$0x17D00] =	vst v63  }
0x94: {  	_ =	swait.ge [sflag:s19], $0xFA0  }
0x95: {  	[sflag:s19] =	ssyncset.done $0x0  }
0x96: {  	s3 =	sadd.s32 $0x5080, s14;
	[sflag:s19] =	ssyncadd.s32 $0xFFFFF060  }
0x97: {  	[spmem:s2] =	stream.indirect.scatter.add.bf16 [tilespmem:s20], [sflag:$0xA], $0x20, s3, s17, $0xb8;
	[tilespmem:$0x17D00] =	vst v63  }
0x98: {  	_ =	swait.ge [sflag:s21], $0xFA0  }
0x99: {  	[sflag:s21] =	ssyncset.done $0x0  }
0x9a: {  	s3 =	sadd.s32 $0x5100, s14;
	[sflag:s21] =	ssyncadd.s32 $0xFFFFF060  }
0x9b: {  	[spmem:s2] =	stream.indirect.scatter.add.bf16 [tilespmem:s22], [sflag:$0xB], $0x20, s3, s17, $0xb8;
	[tilespmem:$0x17D00] =	vst v63  }
0x9c: {  	_ =	swait.ge [sflag:s23], $0xFA0  }
0x9d: {  	[sflag:s23] =	ssyncset.done $0x0  }
0x9e: {  	s3 =	sadd.s32 $0x5180, s14;
	[sflag:s23] =	ssyncadd.s32 $0xFFFFF060  }
0x9f: {  	[spmem:s2] =	stream.indirect.scatter.add.bf16 [tilespmem:s24], [sflag:$0xC], $0x20, s3, s17, $0xb8;
	[tilespmem:$0x17D00] =	vst v63  }
0xa0: {  	_ =	swait.ge [sflag:s25], $0xFA0  }
0xa1: {  	[sflag:s25] =	ssyncset.done $0x0  }
0xa2: {  	s3 =	sadd.s32 $0x5200, s14;
	[sflag:s25] =	ssyncadd.s32 $0xFFFFF060  }
0xa3: {  	[spmem:s2] =	stream.indirect.scatter.add.bf16 [tilespmem:s26], [sflag:$0xD], $0x20, s3, s17, $0xb8;
	[tilespmem:$0x17D00] =	vst v63  }
0xa4: {  	_ =	swait.ge [sflag:s28], $0xFA0  }
0xa5: {  	[sflag:s28] =	ssyncset.done $0x0  }
0xa6: {  	s3 =	sadd.s32 $0x5280, s14;
	[sflag:s28] =	ssyncadd.s32 $0xFFFFF060  }
0xa7: {  	[spmem:s2] =	stream.indirect.scatter.add.bf16 [tilespmem:s29], [sflag:$0xE], $0x20, s3, s17, $0xb8;
	[tilespmem:$0x17D00] =	vst v63  }
0xa8: {  	_ =	swait.ge [sflag:s30], $0xFA0  }
0xa9: {  	[sflag:s30] =	ssyncset.done $0x0  }
0xaa: {  	s3 =	sadd.s32 $0x5300, s14;
	[sflag:s30] =	ssyncadd.s32 $0xFFFFF060  }
0xab: {  	[spmem:s2] =	stream.indirect.scatter.add.bf16 [tilespmem:s31], [sflag:$0xF], $0x20, s3, s17, $0xb8;
	[tilespmem:$0x17D00] =	vst v63  }
0xac: {  	_ =	swait.ge [sflag:s0], $0xFA0  }
0xad: {  	[sflag:s0] =	ssyncset.done $0x0  }
0xae: {  	s3 =	sadd.s32 $0x5380, s14;
	[sflag:s0] =	ssyncadd.s32 $0xFFFFF060  }
0xaf: {  	[spmem:s2] =	stream.indirect.scatter.add.bf16 [tilespmem:s16], [sflag:$0x10], $0x20, s3, s17, $0xb8;
	[tilespmem:$0x17D00] =	vst v63  }
0xb0: {  	_ =	swait.ge [sflag:s6], $0xFA0  }
0xb1: {  	[sflag:s6] =	ssyncset.done $0x0  }
0xb2: {  	s3 =	sadd.s32 $0x400, s14;
	[sflag:s6] =	ssyncadd.s32 $0xFFFFF060  }
0xb3: {  	[tilespmem:s18], [sflag:$0x1] =	stream.indirect.gather [hbm4b:s4+s17], $0x20, s3, s17, $0xb8;
	[tilespmem:$0x17D00] =	vst v63  }
0xb4: {  	_ =	swait.ge [sflag:s7], $0xFA0  }
0xb5: {  	[sflag:s7] =	ssyncset.done $0x0  }
0xb6: {  	s3 =	sadd.s32 $0x480, s14;
	[sflag:s7] =	ssyncadd.s32 $0xFFFFF060  }
0xb7: {  	[tilespmem:s20], [sflag:$0x2] =	stream.indirect.gather [hbm4b:s4+s17], $0x20, s3, s17, $0xb8;
	[tilespmem:$0x17D00] =	vst v63  }
0xb8: {  	_ =	swait.ge [sflag:s8], $0xFA0  }
0xb9: {  	[sflag:s8] =	ssyncset.done $0x0  }
0xba: {  	s3 =	sadd.s32 $0x500, s14;
	[sflag:s8] =	ssyncadd.s32 $0xFFFFF060  }
0xbb: {  	[tilespmem:s22], [sflag:$0x3] =	stream.indirect.gather [hbm4b:s4+s17], $0x20, s3, s17, $0xb8;
	[tilespmem:$0x17D00] =	vst v63  }
0xbc: {  	_ =	swait.ge [sflag:s9], $0xFA0  }
0xbd: {  	[sflag:s9] =	ssyncset.done $0x0  }
0xbe: {  	s3 =	sadd.s32 $0x580, s14;
	[sflag:s9] =	ssyncadd.s32 $0xFFFFF060  }
0xbf: {  	[tilespmem:s24], [sflag:$0x4] =	stream.indirect.gather [hbm4b:s4+s17], $0x20, s3, s17, $0xb8;
	[tilespmem:$0x17D00] =	vst v63  }
0xc0: {  	_ =	swait.ge [sflag:s10], $0xFA0  }
0xc1: {  	[sflag:s10] =	ssyncset.done $0x0  }
0xc2: {  	s3 =	sadd.s32 $0x600, s14;
	[sflag:s10] =	ssyncadd.s32 $0xFFFFF060  }
0xc3: {  	[tilespmem:s26], [sflag:$0x5] =	stream.indirect.gather [hbm4b:s4+s17], $0x20, s3, s17, $0xb8;
	[tilespmem:$0x17D00] =	vst v63  }
0xc4: {  	_ =	swait.ge [sflag:s11], $0xFA0  }
0xc5: {  	[sflag:s11] =	ssyncset.done $0x0  }
0xc6: {  	s3 =	sadd.s32 $0x680, s14;
	[sflag:s11] =	ssyncadd.s32 $0xFFFFF060  }
0xc7: {  	[tilespmem:s29], [sflag:$0x6] =	stream.indirect.gather [hbm4b:s4+s17], $0x20, s3, s17, $0xb8;
	[tilespmem:$0x17D00] =	vst v63  }
0xc8: {  	_ =	swait.ge [sflag:s12], $0xFA0  }
0xc9: {  	[sflag:s12] =	ssyncset.done $0x0  }
.Ltmp1:
0xca: {  	s3 =	sadd.s32 $0x700, s14;
	[sflag:s12] =	ssyncadd.s32 $0xFFFFF060;
	(pc) =	sbr.rel @p0 .LBB2_4-.Ltmp1, $4  }
0xcb: {  	[tilespmem:s31], [sflag:$0x7] =	stream.indirect.gather [hbm4b:s4+s17], $0x20, s3, s17, $0xb8;
	[tilespmem:$0x17D00] =	vst v63  }
0xcc: {  	_ =	swait.ge [sflag:s13], $0xFA0  }
0xcd: {  	[sflag:s13] =	ssyncset.done $0x0  }
0xce: {  	s14 =	sadd.s32 $0x780, s14;
	[sflag:s13] =	ssyncadd.s32 $0xFFFFF060  }
0xcf: {  	[tilespmem:s16], [sflag:$0x8] =	stream.indirect.gather [hbm4b:s4+s17], $0x20, s14, s17, $0xb8;
	[tilespmem:$0x17D00] =	vst v63  }
0xd0: {  	_ =	swait.ge [sflag:s1], $0xFA0  }
0xd1: {  	[sflag:s1] =	ssyncset.done $0x0  }
0xd2: {  	s3 =	simm.s32 $0x9C00;
	[sflag:s1] =	ssyncadd.s32 $0xFFFFF060  }
0xd3: {  	[spmem:s2] =	stream.indirect.scatter.add.bf16 [tilespmem:s18], [sflag:$0x9], $0x20, s3, s17, $0xb8;
	[tilespmem:$0x17D00] =	vst v63  }
0xd4: {  	_ =	swait.ge [sflag:s19], $0xFA0  }
0xd5: {  	[sflag:s19] =	ssyncset.done $0x0  }
0xd6: {  	s5 =	simm.s32 $0x9C80;
	[sflag:s19] =	ssyncadd.s32 $0xFFFFF060  }
0xd7: {  	[spmem:s2] =	stream.indirect.scatter.add.bf16 [tilespmem:s20], [sflag:$0xA], $0x20, s5, s17, $0xb8;
	[tilespmem:$0x17D00] =	vst v63  }
0xd8: {  	_ =	swait.ge [sflag:s21], $0xFA0  }
0xd9: {  	[sflag:s21] =	ssyncset.done $0x0  }
0xda: {  	s14 =	simm.s32 $0x9D00;
	[sflag:s21] =	ssyncadd.s32 $0xFFFFF060  }
0xdb: {  	[spmem:s2] =	stream.indirect.scatter.add.bf16 [tilespmem:s22], [sflag:$0xB], $0x20, s14, s17, $0xb8;
	[tilespmem:$0x17D00] =	vst v63  }
0xdc: {  	_ =	swait.ge [sflag:s23], $0xFA0  }
0xdd: {  	[sflag:s23] =	ssyncset.done $0x0  }
0xde: {  	s5 =	simm.s32 $0x9D80;
	[sflag:s23] =	ssyncadd.s32 $0xFFFFF060  }
0xdf: {  	[spmem:s2] =	stream.indirect.scatter.add.bf16 [tilespmem:s24], [sflag:$0xC], $0x20, s5, s17, $0xb8;
	[tilespmem:$0x17D00] =	vst v63  }
0xe0: {  	_ =	swait.ge [sflag:s25], $0xFA0  }
0xe1: {  	[sflag:s25] =	ssyncset.done $0x0  }
0xe2: {  	s14 =	simm.s32 $0x9E00;
	[sflag:s25] =	ssyncadd.s32 $0xFFFFF060  }
0xe3: {  	[spmem:s2] =	stream.indirect.scatter.add.bf16 [tilespmem:s26], [sflag:$0xD], $0x20, s14, s17, $0xb8;
	[tilespmem:$0x17D00] =	vst v63  }
0xe4: {  	_ =	swait.ge [sflag:s28], $0xFA0  }
0xe5: {  	[sflag:s28] =	ssyncset.done $0x0  }
0xe6: {  	s5 =	simm.s32 $0x9E80;
	[sflag:s28] =	ssyncadd.s32 $0xFFFFF060  }
0xe7: {  	[spmem:s2] =	stream.indirect.scatter.add.bf16 [tilespmem:s29], [sflag:$0xE], $0x20, s5, s17, $0xb8;
	[tilespmem:$0x17D00] =	vst v63  }
0xe8: {  	_ =	swait.ge [sflag:s30], $0xFA0  }
0xe9: {  	[sflag:s30] =	ssyncset.done $0x0  }
0xea: {  	s14 =	simm.s32 $0x9F00;
	[sflag:s30] =	ssyncadd.s32 $0xFFFFF060  }
0xeb: {  	[spmem:s2] =	stream.indirect.scatter.add.bf16 [tilespmem:s31], [sflag:$0xF], $0x20, s14, s17, $0xb8;
	[tilespmem:$0x17D00] =	vst v63  }
0xec: {  	_ =	swait.ge [sflag:s0], $0xFA0  }
0xed: {  	[sflag:s0] =	ssyncset.done $0x0  }
0xee: {  	s5 =	simm.s32 $0x9F80;
	[sflag:s0] =	ssyncadd.s32 $0xFFFFF060  }
0xef: {  	[spmem:s2] =	stream.indirect.scatter.add.bf16 [tilespmem:s16], [sflag:$0x10], $0x20, s5, s17, $0xb8;
	[tilespmem:$0x17D00] =	vst v63  }
0xf0: {  	_ =	swait.ge [sflag:s6], $0xFA0  }
0xf1: {  	[sflag:s6] =	ssyncset.done $0x0  }
0xf2: {  	[sflag:s6] =	ssyncadd.s32 $0xFFFFF060  }
0xf3: {  	_ =	swait.ge [sflag:s7], $0xFA0  }
0xf4: {  	[sflag:s7] =	ssyncset.done $0x0  }
0xf5: {  	[sflag:s7] =	ssyncadd.s32 $0xFFFFF060  }
0xf6: {  	_ =	swait.ge [sflag:s8], $0xFA0  }
0xf7: {  	[sflag:s8] =	ssyncset.done $0x0  }
0xf8: {  	[sflag:s8] =	ssyncadd.s32 $0xFFFFF060  }
0xf9: {  	_ =	swait.ge [sflag:s9], $0xFA0  }
0xfa: {  	[sflag:s9] =	ssyncset.done $0x0  }
0xfb: {  	[sflag:s9] =	ssyncadd.s32 $0xFFFFF060  }
0xfc: {  	_ =	swait.ge [sflag:s10], $0xFA0  }
0xfd: {  	[sflag:s10] =	ssyncset.done $0x0  }
0xfe: {  	[sflag:s10] =	ssyncadd.s32 $0xFFFFF060  }
0xff: {  	_ =	swait.ge [sflag:s11], $0xFA0  }
0x100: {  	[sflag:s11] =	ssyncset.done $0x0  }
0x101: {  	[sflag:s11] =	ssyncadd.s32 $0xFFFFF060  }
0x102: {  	_ =	swait.ge [sflag:s12], $0xFA0  }
0x103: {  	[sflag:s12] =	ssyncset.done $0x0  }
0x104: {  	[sflag:s12] =	ssyncadd.s32 $0xFFFFF060  }
0x105: {  	_ =	swait.ge [sflag:s13], $0xFA0  }
0x106: {  	[sflag:s13] =	ssyncset.done $0x0  }
0x107: {  	[sflag:s13] =	ssyncadd.s32 $0xFFFFF060  }
0x108: {  	s14 =	stileid.u32;
	[bflag:$0x0] =	sbarrier.arrive $0xFFFF  }
0x109: {  	s3 =	sshll.u32 s14, $0x6;
	s5 =	rddreg [dreg:$0x5]  }
0x10a: {  	s3 =	sor.u32 $0x1C11, s3;
	s14 =	rddreg [dreg:$0x8];
	s5 =	sshrl.u32 s5, $0x3  }
0x10b: {  	[hbm:s14@s0], [sflag:s3] =	dma.strided [spmem:s5@s23], $0xA00, s1, $0x4   }
0x10c: {  	_ =	swait.ge [sflag:s15], $0xA00  }
0x10d: {  	s3 =	rddreg [dreg:$0x4]  }
0x10e: {  	s5 =	rddreg [dreg:$0x9];
	s14 =	sadd.s32 $0x1, s3  }
0x10f: {  	p0 =	sne.s32 s14, s5  }
.Ltmp2:
0x110: {  	_ = 	snop;
	(pc) =	sbr.rel @p0 .LBB2_1-.Ltmp2, $3  }
0x111: {  	_ =	sdelay $0x1  }
0x112: {  	[sflag:s15] =	ssyncset.done $0x0  }
0x113: {  	[sflag:s15] =	ssyncadd.s32 $0xFFFFF600  }
0x114: {  	_ =	sfence.sel $0x180000  }
0x115: {  	[bflag:$0x0] =	sbarrier.arrive $0xFFFF  }
0x116: {  	_ =	strace $0x9000004A  }
0x117: {  	s0 =	stileid.u32;
	[bflag:$0x2] =	sbarrier.arrive $0xFFFF  }
0x118: {  	p0 =	sne.s32 s0, $0x0;
	s0 =	rddreg [dreg:$0x3]  }
0x119: {  	s0 =	sadd.s32 @!p0 $0x100000, s0  }
0x11a: {  	[sflag:s0] =	ssyncadd.tile.s32 @!p0 $0x1;
	_ =	shalt  }
.Lfunc_end2:
_tile_overlayer_lowered:
.L_overlay_start_2:
0x11b: {  	(tag) =	ssettag $0x2  }
0x11c: {  	s0 =	rddreg [dreg:$0x0];
	s2 =	stileid.u32  }
0x11d: {  	s1 =	rddreg [dreg:$0x1];
	p0 =	sne.s32 s2, $0x0  }
0x11e: {  	s3 =	rddreg [dreg:$0x2];
	[bflag:$0x3] =	sbarrier.arrive $0xFFFF;
	s2 =	simm.s32 @!p0 $0x1C11  }
0x11f: {  	[timem:s3], [sflag:s2] =	dma.local @!p0 [hbm:s0], s1  }
0x120: {  	s0 =	simm.s32 @!p0 $0x11  }
0x121: {  	_ =	swait.ge @!p0 [sflag:s0], s1  }
0x122: {  	s1 =	ssub.s32 @!p0 $0x0, s1;
	[sflag:s0] =	ssyncset.done @!p0 $0x0  }
0x123: {  	[sflag:s0] =	ssyncadd.s32 @!p0 s1  }
0x124: {  	[bflag:$0x3] =	sbarrier.arrive $0xFFFF  }
0x125: {  	_ =	shalt  }

</sc_bundles>
